<compile_context>
chip_gen: v7x
topology: tpu7x:2x2x1
jax: 0.10.2.dev20260603
libtpu: 0.0.44.dev20260713+nightly
codegen_flags: <defaults>
</compile_context>

<pallas_src>
import functools

import jax
import jax.numpy as jnp
from jax import lax
from jax.experimental import pallas as pl
from jax.experimental.pallas import tpu as pltpu
from jax.experimental.pallas import tpu_sc as plsc

NC = 2
NS = 16
NW = NC * NS
L = 16

_SLOPE = 0.2
_PKSH = 14


def _leaky(x):
    return jnp.maximum(x, _SLOPE * x)



def _nodes_body(x_ref, ww_ref, bw_ref, wa_ref, ei_ref, htp_ref, s1_ref,
                s2_ref, mx_ref, pk_ref):
    h = _leaky(jnp.dot(x_ref[...], ww_ref[...],
                       preferred_element_type=jnp.float32) + bw_ref[...])
    ht = h.T
    s = jnp.dot(wa_ref[...], ht, preferred_element_type=jnp.float32)
    s1_ref[...] = s[0]
    s2_ref[...] = s[1]
    mx_ref[...] = jnp.max(s, axis=1)
    dh, n = ht.shape
    hb3 = ht.astype(jnp.bfloat16).reshape(dh // 2, 2, n)
    lo = lax.bitcast_convert_type(hb3[:, 0, :], jnp.uint16).astype(jnp.uint32)
    hi = lax.bitcast_convert_type(hb3[:, 1, :], jnp.uint16).astype(jnp.uint32)
    pk = lo | (hi << 16)
    htp_ref[...] = lax.bitcast_convert_type(pk, jnp.float32)
    ei = ei_ref[...]
    pk_ref[...] = (ei[0] << _PKSH) | ei[1]



def _edges_body(ef_ref, wes_ref, bs_ref, wa3_ref, ae_ref, mx_ref):
    y = lax.dot_general(wes_ref[...].astype(jnp.bfloat16),
                        ef_ref[...].astype(jnp.bfloat16),
                        (((0,), (1,)), ((), ())),
                        preferred_element_type=jnp.float32) + bs_ref[...]
    sel = jnp.where(wa3_ref[...] >= 0.0,
                    jnp.maximum(y, _SLOPE * y),
                    jnp.minimum(y, _SLOPE * y))
    ae = jnp.sum(sel, axis=0)
    be = ae.shape[0]
    ae_ref[...] = ae.reshape(1, 1, be)
    mx_ref[...] = jnp.max(ae).reshape(1, 1, 1)



def _rden_body(dp_ref, rden_ref):
    rden_ref[...] = 1.0 / jnp.sum(dp_ref[...], axis=0)



def _fin_body(ot_ref, rden_ref, out_ref):
    scaled = ot_ref[...] * rden_ref[...].reshape(1, -1)
    out_ref[...] = _leaky(scaled.T)



def _sc_attn_body(s1_hbm, s2_hbm, ae_hbm, shift_hbm, pk_hbm,
                  ex_out, denp_out,
                  s1_v, s2_v, den_v, pk_v, ae_v, ex_v, sh_v,
                  *, n_nodes, epw):
    wid = lax.axis_index("s") * NC + lax.axis_index("c")
    base = wid * epw
    pltpu.sync_copy(s1_hbm, s1_v)
    pltpu.sync_copy(s2_hbm, s2_v)
    pltpu.sync_copy(pk_hbm.at[pl.ds(base, epw)], pk_v)
    pltpu.sync_copy(ae_hbm.at[pl.ds(base, epw)], ae_v)
    pltpu.sync_copy(shift_hbm, sh_v)
    shift = sh_v[...]

    zeros = jnp.zeros((L,), jnp.float32)
    nmask = jnp.full((L,), (1 << _PKSH) - 1, jnp.int32)
    shv = jnp.full((L,), _PKSH, jnp.int32)

    @plsc.parallel_loop(0, n_nodes // L, unroll=8)
    def _(i):
        den_v[pl.ds(i * L, L)] = zeros

    @plsc.parallel_loop(0, epw // L, unroll=4)
    def _(j):
        sl = pl.ds(j * L, L)
        pk = pk_v[sl]
        t = lax.shift_right_logical(pk, shv)
        n = pk & nmask
        v1 = plsc.load_gather(s1_v, [t])
        v2 = plsc.load_gather(s2_v, [n])
        ex = jnp.exp(v1 + v2 + ae_v[sl] + shift)
        ex_v[sl] = ex
        plsc.addupdate_scatter(den_v, [t], ex)

    pltpu.sync_copy(ex_v, ex_out.at[pl.ds(base, epw)])
    pltpu.sync_copy(den_v, denp_out.at[pl.ds(wid * n_nodes, n_nodes)])



def _sc_agg_body(htp_hbm, ex_hbm, pk_hbm,
                 outp,
                 ht2_v, ht_v, out_v,
                 pk0, ex0, pk1, ex1, sem0, sem1,
                 *, n_nodes, n_edges, cpw, chunk):
    wid = lax.axis_index("s") * NC + lax.axis_index("c")
    cpw2 = cpw // 2
    pltpu.sync_copy(htp_hbm.at[pl.ds(wid * cpw2, cpw2)], ht2_v)

    @plsc.parallel_loop(0, n_nodes // L, unroll=8)
    def _(i):
        for c2 in range(cpw2):
            ht_v[pl.ds(c2 * n_nodes + i * L, L)] = ht2_v[c2, pl.ds(i * L, L)]

    zeros = jnp.zeros((L,), jnp.float32)
    stripe = n_nodes * cpw
    nchunks = n_edges // chunk
    nmask = jnp.full((L,), (1 << _PKSH) - 1, jnp.int32)
    shv = jnp.full((L,), _PKSH, jnp.int32)
    sh16 = jnp.full((L,), 16, jnp.int32)
    himask = jnp.full((L,), -65536, jnp.int32)

    @plsc.parallel_loop(0, stripe // L, unroll=8)
    def _(i):
        out_v[pl.ds(i * L, L)] = zeros

    wrd_base = [jnp.full((L,), c2 * n_nodes, jnp.int32) for c2 in range(cpw2)]
    col_base = [jnp.full((L,), c * n_nodes, jnp.int32) for c in range(cpw)]

    def _start(kc, pb, xb, sem):
        cb = kc * chunk
        pltpu.async_copy(pk_hbm.at[pl.ds(cb, chunk)], pb, sem)
        pltpu.async_copy(ex_hbm.at[pl.ds(cb, chunk)], xb, sem)

    def _wait(kc, pb, xb, sem):
        cb = kc * chunk
        pltpu.make_async_copy(pk_hbm.at[pl.ds(cb, chunk)], pb, sem).wait()
        pltpu.make_async_copy(ex_hbm.at[pl.ds(cb, chunk)], xb, sem).wait()

    def _consume(pb, xb):
        @plsc.parallel_loop(0, chunk // L, unroll=16)
        def _(j):
            sl = pl.ds(j * L, L)
            pk = pb[sl]
            t = lax.shift_right_logical(pk, shv)
            n = pk & nmask
            att = xb[sl]
            for c2 in range(cpw2):
                w = plsc.bitcast(plsc.load_gather(ht_v, [n + wrd_base[c2]]),
                                 jnp.int32)
                hlo = plsc.bitcast(lax.shift_left(w, sh16), jnp.float32)
                hhi = plsc.bitcast(w & himask, jnp.float32)
                plsc.addupdate_scatter(out_v, [t + col_base[2 * c2]],
                                       att * hlo)
                plsc.addupdate_scatter(out_v, [t + col_base[2 * c2 + 1]],
                                       att * hhi)

    _start(0, pk0, ex0, sem0)

    def chunk_body(k2, c):
        c0 = 2 * k2
        _start(c0 + 1, pk1, ex1, sem1)
        _wait(c0, pk0, ex0, sem0)
        _consume(pk0, ex0)

        @pl.when(c0 + 2 < nchunks)
        def _():
            _start(c0 + 2, pk0, ex0, sem0)

        _wait(c0 + 1, pk1, ex1, sem1)
        _consume(pk1, ex1)
        return c

    lax.fori_loop(0, nchunks // 2, chunk_body, 0)

    pltpu.sync_copy(out_v, outp.at[pl.ds(wid * stripe, stripe)])


def kernel(node_features, edge_features, W_w, b_w, W_e, b_e, W_a, b_a,
           edge_index):
    N, Df = node_features.shape
    E, De = edge_features.shape
    Dh = W_w.shape[1]
    f32 = jnp.float32

    assert N % L == 0 and E % NW == 0 and Dh % NW == 0
    assert N <= (1 << _PKSH)
    epw = E // NW
    cpw = Dh // NW
    chunk = 8000
    assert E % (2 * chunk) == 0 and chunk % L == 0 and epw % L == 0

    wa = W_a[:, 0]
    wa12 = wa[:2 * Dh].reshape(2, Dh)

    htp, s1, s2, mx12, pk = pl.pallas_call(
        _nodes_body,
        out_shape=[
            jax.ShapeDtypeStruct((Dh // 2, N), f32),
            jax.ShapeDtypeStruct((N,), f32),
            jax.ShapeDtypeStruct((N,), f32),
            jax.ShapeDtypeStruct((2,), f32),
            jax.ShapeDtypeStruct((E,), jnp.int32),
        ],
    )(node_features, W_w, b_w.reshape(1, Dh), wa12, edge_index)

    BE = 6400
    nbe = E // BE
    wes = W_e * wa[2 * Dh:][None, :]
    bs_col = (b_e * wa[2 * Dh:]).reshape(Dh, 1)
    wa3_col = wa[2 * Dh:].reshape(Dh, 1)
    ae3, mxb = pl.pallas_call(
        _edges_body,
        grid=(nbe,),
        in_specs=[
            pl.BlockSpec((BE, De), lambda i: (i, 0)),
            pl.BlockSpec((De, Dh), lambda i: (0, 0)),
            pl.BlockSpec((Dh, 1), lambda i: (0, 0)),
            pl.BlockSpec((Dh, 1), lambda i: (0, 0)),
        ],
        out_specs=[
            pl.BlockSpec((1, 1, BE), lambda i: (i, 0, 0)),
            pl.BlockSpec((1, 1, 1), lambda i: (i, 0, 0)),
        ],
        out_shape=[
            jax.ShapeDtypeStruct((nbe, 1, BE), f32),
            jax.ShapeDtypeStruct((nbe, 1, 1), f32),
        ],
    )(edge_features, wes, bs_col, wa3_col)
    ae = ae3.reshape(E)

    bound = mx12[0] + mx12[1] + jnp.max(mxb)
    shift = jnp.full((L,), 0.0, f32) - bound

    mesh = plsc.VectorSubcoreMesh(core_axis_name="c", subcore_axis_name="s")
    sc_params = pltpu.CompilerParams(needs_layout_passes=False)
    sc_attn = pl.kernel(
        functools.partial(_sc_attn_body, n_nodes=N, epw=epw),
        mesh=mesh,
        compiler_params=sc_params,
        out_type=(
            jax.ShapeDtypeStruct((E,), f32),
            jax.ShapeDtypeStruct((NW * N,), f32),
        ),
        scratch_types=[
            pltpu.VMEM((N,), f32),
            pltpu.VMEM((N,), f32),
            pltpu.VMEM((N,), f32),
            pltpu.VMEM((epw,), jnp.int32),
            pltpu.VMEM((epw,), f32),
            pltpu.VMEM((epw,), f32),
            pltpu.VMEM((L,), f32),
        ],
    )
    ex, denp = sc_attn(s1, s2, ae, shift, pk)

    rden = pl.pallas_call(
        _rden_body,
        out_shape=jax.ShapeDtypeStruct((N,), f32),
    )(denp.reshape(NW, N))

    sc_agg = pl.kernel(
        functools.partial(_sc_agg_body, n_nodes=N, n_edges=E, cpw=cpw,
                          chunk=chunk),
        mesh=mesh,
        compiler_params=sc_params,
        out_type=jax.ShapeDtypeStruct((NW * N * cpw,), f32),
        scratch_types=[
            pltpu.VMEM((cpw // 2, N), f32),
            pltpu.VMEM((N * cpw // 2,), f32),
            pltpu.VMEM((N * cpw,), f32),
            pltpu.VMEM((chunk,), jnp.int32),
            pltpu.VMEM((chunk,), f32),
            pltpu.VMEM((chunk,), jnp.int32),
            pltpu.VMEM((chunk,), f32),
            pltpu.SemaphoreType.DMA,
            pltpu.SemaphoreType.DMA,
        ],
    )
    outp = sc_agg(htp, ex, pk)

    out = pl.pallas_call(
        _fin_body,
        out_shape=jax.ShapeDtypeStruct((N, Dh), f32),
    )(outp.reshape(Dh, N), rden)
    return out

# --- scband reference (transcript-rebuilt; emitter-appended) ---
"""Pipeline reference for scband-graph-attention-layer-v2-75797582840269 (READ-ONLY COPY).

The authoritative reference and input builder live on the scoring server;
editing this copy changes nothing except your own understanding.
"""

import jax, jax.numpy as jnp
import numpy as np


def setup_inputs(seed: int = 0) -> dict:
    key = jax.random.key(seed)
    ks = jax.random.split(key, 8)
    N, E, Df, De, Dh = 10000, 320000, 128, 16, 128
    node_features = jax.random.normal(ks[0], (N, Df), dtype=jnp.float32)
    edge_features = jax.random.normal(ks[1], (E, De), dtype=jnp.float32)
    edge_index = jax.random.randint(ks[2], (2, E), 0, N, dtype=jnp.int32)
    W_w = jax.random.normal(ks[3], (Df, Dh), dtype=jnp.float32) * 0.05
    b_w = jnp.zeros((Dh,), dtype=jnp.float32)
    W_e = jax.random.normal(ks[4], (De, Dh), dtype=jnp.float32) * 0.05
    b_e = jnp.zeros((Dh,), dtype=jnp.float32)
    W_a = jax.random.normal(ks[5], (3 * Dh, 1), dtype=jnp.float32) * 0.05
    b_a = jnp.zeros((1,), dtype=jnp.float32)
    return {
        "node_features": node_features,
        "edge_features": edge_features,
        "W_w": W_w, "b_w": b_w,
        "W_e": W_e, "b_e": b_e,
        "W_a": W_a, "b_a": b_a,
        "edge_index": edge_index,
    }


def reference(node_features, edge_features, W_w, b_w, W_e, b_e, W_a, b_a, edge_index):
    scaling = 0.2
    N = node_features.shape[0]
    # h = LeakyReLU(W x + b), edge_h = LeakyReLU(W_e e + b_e)
    h = jax.nn.leaky_relu(node_features @ W_w + b_w, negative_slope=scaling)
    edge_h = jax.nn.leaky_relu(edge_features @ W_e + b_e, negative_slope=scaling)
    target_nodes = edge_index[0]
    neighbor_nodes = edge_index[1]
    h_i = h[target_nodes]
    h_j = h[neighbor_nodes]
    h_concat = jnp.concatenate([h_i, h_j, edge_h], axis=-1)
    eij = (h_concat @ W_a + b_a)[:, 0]  # [E]
    # scatter_softmax over edges grouped by target node (numerically stable)
    seg_max = jax.ops.segment_max(eij, target_nodes, num_segments=N)
    seg_max = jnp.where(jnp.isfinite(seg_max), seg_max, 0.0)
    ex = jnp.exp(eij - seg_max[target_nodes])
    denom = jax.ops.segment_sum(ex, target_nodes, num_segments=N)
    attention_score = ex / denom[target_nodes]
    # dropout omitted for deterministic reference (eval mode)
    message = attention_score[:, None] * h_j
    out = jax.ops.segment_sum(message, target_nodes, num_segments=N)
    return jax.nn.leaky_relu(out, negative_slope=scaling)

if __name__ == "__main__":
    import jax
    _d = setup_inputs()
    print(jax.jit(kernel)(*tuple(_d.values())))

</pallas_src>

<mosaic_0001>
#map = affine_map<(d0, d1) -> (0)>
module attributes {stable_mosaic.version = 14 : i64} {
  func.func @_sc_attn_body(%arg0: i32, %arg1: i32, %arg2: memref<10000xf32, #tpu.memory_space<hbm>>, %arg3: memref<10000xf32, #tpu.memory_space<hbm>>, %arg4: memref<320000xf32, #tpu.memory_space<hbm>>, %arg5: memref<16xf32, #tpu.memory_space<hbm>>, %arg6: memref<320000xi32, #tpu.memory_space<hbm>>, %arg7: memref<320000xf32, #tpu.memory_space<hbm>>, %arg8: memref<320000xf32, #tpu.memory_space<hbm>>, %arg9: memref<10000xf32, #tpu.memory_space<vmem>>, %arg10: memref<10000xf32, #tpu.memory_space<vmem>>, %arg11: memref<10000xf32, #tpu.memory_space<vmem>>, %arg12: memref<10000xi32, #tpu.memory_space<vmem>>, %arg13: memref<10000xf32, #tpu.memory_space<vmem>>, %arg14: memref<10000xf32, #tpu.memory_space<vmem>>, %arg15: memref<16xf32, #tpu.memory_space<vmem>>) attributes {dimension_semantics = [#tpu.dimension_semantics<core_parallel>, #tpu.dimension_semantics<subcore_parallel>], iteration_bounds = array<i64: 2, 16>, scalar_prefetch = 0 : i64, scratch_operands = 7 : i64, tpu.core_type = #tpu.core_type<sc_vector_subcore>, window_params = [{transform_indices = #map}, {transform_indices = #map}, {transform_indices = #map}, {transform_indices = #map}, {transform_indices = #map}, {transform_indices = #map}, {transform_indices = #map}]} {
    %mul3A = arith.constant 2 : i32
    %mul3A_0 = arith.muli %arg1, %mul3A : i32
    %add3A = arith.addi %mul3A_0, %arg0 : i32
    %mul3A_1 = arith.constant 10000 : i32
    %mul3A_2 = arith.muli %add3A, %mul3A_1 : i32
    "tpu.region"() ({
      %run_scoped3A = tpu.sem_alloc : memref<!tpu.dma_semaphore, #tpu.memory_space<semaphore_mem>>
      tpu.enqueue_dma source(%arg2 : memref<10000xf32, #tpu.memory_space<hbm>>) target(%arg9 : memref<10000xf32, #tpu.memory_space<vmem>>) target_semaphore(%run_scoped3A : memref<!tpu.dma_semaphore, #tpu.memory_space<semaphore_mem>>)
      tpu.wait_dma2 semaphore(%run_scoped3A : memref<!tpu.dma_semaphore, #tpu.memory_space<semaphore_mem>>) src(%arg2 : memref<10000xf32, #tpu.memory_space<hbm>>) dst(%arg9 : memref<10000xf32, #tpu.memory_space<vmem>>)
      tpu.yield
    }) : () -> ()
    "tpu.region"() ({
      %run_scoped3A = tpu.sem_alloc : memref<!tpu.dma_semaphore, #tpu.memory_space<semaphore_mem>>
      tpu.enqueue_dma source(%arg3 : memref<10000xf32, #tpu.memory_space<hbm>>) target(%arg10 : memref<10000xf32, #tpu.memory_space<vmem>>) target_semaphore(%run_scoped3A : memref<!tpu.dma_semaphore, #tpu.memory_space<semaphore_mem>>)
      tpu.wait_dma2 semaphore(%run_scoped3A : memref<!tpu.dma_semaphore, #tpu.memory_space<semaphore_mem>>) src(%arg3 : memref<10000xf32, #tpu.memory_space<hbm>>) dst(%arg10 : memref<10000xf32, #tpu.memory_space<vmem>>)
      tpu.yield
    }) : () -> ()
    "tpu.region"() ({
      %run_scoped3A = tpu.sem_alloc : memref<!tpu.dma_semaphore, #tpu.memory_space<semaphore_mem>>
      %dma_start3A = tpu.memref_slice %arg6[%mul3A_2] : memref<320000xi32, #tpu.memory_space<hbm>> -> memref<10000xi32, #tpu.memory_space<hbm>>
      %dma_start3A_16 = tpu.memref_slice %arg6[%mul3A_2] : memref<320000xi32, #tpu.memory_space<hbm>> -> memref<10000xi32, #tpu.memory_space<hbm>>
      tpu.enqueue_dma source(%dma_start3A_16 : memref<10000xi32, #tpu.memory_space<hbm>>) target(%arg12 : memref<10000xi32, #tpu.memory_space<vmem>>) target_semaphore(%run_scoped3A : memref<!tpu.dma_semaphore, #tpu.memory_space<semaphore_mem>>)
      %dma_wait3A = tpu.memref_slice %arg6[%mul3A_2] : memref<320000xi32, #tpu.memory_space<hbm>> -> memref<10000xi32, #tpu.memory_space<hbm>>
      %dma_wait3A_17 = tpu.memref_slice %arg6[%mul3A_2] : memref<320000xi32, #tpu.memory_space<hbm>> -> memref<10000xi32, #tpu.memory_space<hbm>>
      tpu.wait_dma2 semaphore(%run_scoped3A : memref<!tpu.dma_semaphore, #tpu.memory_space<semaphore_mem>>) src(%dma_wait3A_17 : memref<10000xi32, #tpu.memory_space<hbm>>) dst(%arg12 : memref<10000xi32, #tpu.memory_space<vmem>>)
      tpu.yield
    }) : () -> ()
    "tpu.region"() ({
      %run_scoped3A = tpu.sem_alloc : memref<!tpu.dma_semaphore, #tpu.memory_space<semaphore_mem>>
      %dma_start3A = tpu.memref_slice %arg4[%mul3A_2] : memref<320000xf32, #tpu.memory_space<hbm>> -> memref<10000xf32, #tpu.memory_space<hbm>>
      %dma_start3A_16 = tpu.memref_slice %arg4[%mul3A_2] : memref<320000xf32, #tpu.memory_space<hbm>> -> memref<10000xf32, #tpu.memory_space<hbm>>
      tpu.enqueue_dma source(%dma_start3A_16 : memref<10000xf32, #tpu.memory_space<hbm>>) target(%arg13 : memref<10000xf32, #tpu.memory_space<vmem>>) target_semaphore(%run_scoped3A : memref<!tpu.dma_semaphore, #tpu.memory_space<semaphore_mem>>)
      %dma_wait3A = tpu.memref_slice %arg4[%mul3A_2] : memref<320000xf32, #tpu.memory_space<hbm>> -> memref<10000xf32, #tpu.memory_space<hbm>>
      %dma_wait3A_17 = tpu.memref_slice %arg4[%mul3A_2] : memref<320000xf32, #tpu.memory_space<hbm>> -> memref<10000xf32, #tpu.memory_space<hbm>>
      tpu.wait_dma2 semaphore(%run_scoped3A : memref<!tpu.dma_semaphore, #tpu.memory_space<semaphore_mem>>) src(%dma_wait3A_17 : memref<10000xf32, #tpu.memory_space<hbm>>) dst(%arg13 : memref<10000xf32, #tpu.memory_space<vmem>>)
      tpu.yield
    }) : () -> ()
    "tpu.region"() ({
      %run_scoped3A = tpu.sem_alloc : memref<!tpu.dma_semaphore, #tpu.memory_space<semaphore_mem>>
      tpu.enqueue_dma source(%arg5 : memref<16xf32, #tpu.memory_space<hbm>>) target(%arg15 : memref<16xf32, #tpu.memory_space<vmem>>) target_semaphore(%run_scoped3A : memref<!tpu.dma_semaphore, #tpu.memory_space<semaphore_mem>>)
      tpu.wait_dma2 semaphore(%run_scoped3A : memref<!tpu.dma_semaphore, #tpu.memory_space<semaphore_mem>>) src(%arg5 : memref<16xf32, #tpu.memory_space<hbm>>) dst(%arg15 : memref<16xf32, #tpu.memory_space<vmem>>)
      tpu.yield
    }) : () -> ()
    %get3A = arith.constant 0 : index
    %get3A_3 = tpu.vector_load %arg15[%get3A] {strides = array<i32>} : memref<16xf32, #tpu.memory_space<vmem>>, vector<16xf32>,
    %broadcast_in_dim3A = arith.constant 0.000000e+00 : f32
    %broadcast_in_dim3A_4 = vector.broadcast %broadcast_in_dim3A : f32 to vector<16xf32>
    %broadcast_in_dim3A_5 = arith.constant 16383 : i32
    %broadcast_in_dim3A_6 = vector.broadcast %broadcast_in_dim3A_5 : i32 to vector<16xi32>
    %broadcast_in_dim3A_7 = arith.constant 14 : i32
    %broadcast_in_dim3A_8 = vector.broadcast %broadcast_in_dim3A_7 : i32 to vector<16xi32>
    %parallel_loop3A = arith.constant 0 : i32
    %parallel_loop3A_9 = arith.constant 625 : i32
    %parallel_loop3A_10 = arith.constant 1 : i32
    scf.for %parallel_loop3A_16 = %parallel_loop3A to %parallel_loop3A_9 step %parallel_loop3A_10  : i32 {
      %parallel_loop3A_17 = arith.constant 16 : i32
      %parallel_loop3A_18 = arith.muli %parallel_loop3A_16, %parallel_loop3A_17 : i32
      %parallel_loop3A_19 = arith.index_cast %parallel_loop3A_18 : i32 to index
      %parallel_loop3A_20 = tpu.vector_load %arg11[%parallel_loop3A_19] {strides = array<i32>} : memref<10000xf32, #tpu.memory_space<vmem>>, vector<16xf32>,
      tpu.vector_store %arg11[%parallel_loop3A_19], %broadcast_in_dim3A_4 {strides = array<i32>} : memref<10000xf32, #tpu.memory_space<vmem>>, vector<16xf32>,
    } {sc.loop_unroll_factor = 8 : i64, sc.parallel_access}
    %parallel_loop3A_11 = arith.constant 0 : i32
    %parallel_loop3A_12 = arith.constant 625 : i32
    %parallel_loop3A_13 = arith.constant 1 : i32
    scf.for %parallel_loop3A_16 = %parallel_loop3A_11 to %parallel_loop3A_12 step %parallel_loop3A_13  : i32 {
      %parallel_loop3A_17 = arith.constant 16 : i32
      %parallel_loop3A_18 = arith.muli %parallel_loop3A_16, %parallel_loop3A_17 : i32
      %parallel_loop3A_19 = arith.index_cast %parallel_loop3A_18 : i32 to index
      %parallel_loop3A_20 = tpu.vector_load %arg12[%parallel_loop3A_19] {strides = array<i32>} : memref<10000xi32, #tpu.memory_space<vmem>>, vector<16xi32>,
      %parallel_loop3A_21 = arith.shrui %parallel_loop3A_20, %broadcast_in_dim3A_8 : vector<16xi32>
      %parallel_loop3A_22 = arith.andi %parallel_loop3A_20, %broadcast_in_dim3A_6 : vector<16xi32>
      %parallel_loop3A_23 = tpu.vector_load_idx %arg9[%parallel_loop3A_21] : memref<10000xf32, #tpu.memory_space<vmem>>[vector<16xi32>], vector<16xf32>,
      %parallel_loop3A_24 = tpu.vector_load_idx %arg10[%parallel_loop3A_22] : memref<10000xf32, #tpu.memory_space<vmem>>[vector<16xi32>], vector<16xf32>,
      %parallel_loop3A_25 = arith.addf %parallel_loop3A_23, %parallel_loop3A_24 : vector<16xf32>
      %parallel_loop3A_26 = arith.index_cast %parallel_loop3A_18 : i32 to index
      %parallel_loop3A_27 = tpu.vector_load %arg13[%parallel_loop3A_26] {strides = array<i32>} : memref<10000xf32, #tpu.memory_space<vmem>>, vector<16xf32>,
      %parallel_loop3A_28 = arith.addf %parallel_loop3A_25, %parallel_loop3A_27 : vector<16xf32>
      %parallel_loop3A_29 = arith.addf %parallel_loop3A_28, %get3A_3 : vector<16xf32>
      %parallel_loop3A_30 = math.exp %parallel_loop3A_29 : vector<16xf32>
      %parallel_loop3A_31 = arith.index_cast %parallel_loop3A_18 : i32 to index
      %parallel_loop3A_32 = tpu.vector_load %arg14[%parallel_loop3A_31] {strides = array<i32>} : memref<10000xf32, #tpu.memory_space<vmem>>, vector<16xf32>,
      tpu.vector_store %arg14[%parallel_loop3A_31], %parallel_loop3A_30 {strides = array<i32>} : memref<10000xf32, #tpu.memory_space<vmem>>, vector<16xf32>,
      tpu.vector_store_idx %arg11[%parallel_loop3A_21], %parallel_loop3A_30 {add = true} : memref<10000xf32, #tpu.memory_space<vmem>>[vector<16xi32>], vector<16xf32>,
    } {sc.loop_unroll_factor = 4 : i64, sc.parallel_access}
    "tpu.region"() ({
      %run_scoped3A = tpu.sem_alloc : memref<!tpu.dma_semaphore, #tpu.memory_space<semaphore_mem>>
      %dma_start3A = tpu.memref_slice %arg7[%mul3A_2] : memref<320000xf32, #tpu.memory_space<hbm>> -> memref<10000xf32, #tpu.memory_space<hbm>>
      %dma_start3A_16 = tpu.memref_slice %arg7[%mul3A_2] : memref<320000xf32, #tpu.memory_space<hbm>> -> memref<10000xf32, #tpu.memory_space<hbm>>
      tpu.enqueue_dma source(%arg14 : memref<10000xf32, #tpu.memory_space<vmem>>) target(%dma_start3A_16 : memref<10000xf32, #tpu.memory_space<hbm>>) target_semaphore(%run_scoped3A : memref<!tpu.dma_semaphore, #tpu.memory_space<semaphore_mem>>)
      %dma_wait3A = tpu.memref_slice %arg7[%mul3A_2] : memref<320000xf32, #tpu.memory_space<hbm>> -> memref<10000xf32, #tpu.memory_space<hbm>>
      %dma_wait3A_17 = tpu.memref_slice %arg7[%mul3A_2] : memref<320000xf32, #tpu.memory_space<hbm>> -> memref<10000xf32, #tpu.memory_space<hbm>>
      tpu.wait_dma2 semaphore(%run_scoped3A : memref<!tpu.dma_semaphore, #tpu.memory_space<semaphore_mem>>) src(%arg14 : memref<10000xf32, #tpu.memory_space<vmem>>) dst(%dma_wait3A_17 : memref<10000xf32, #tpu.memory_space<hbm>>)
      tpu.yield
    }) : () -> ()
    %mul3A_14 = arith.constant 10000 : i32
    %mul3A_15 = arith.muli %add3A, %mul3A_14 : i32
    "tpu.region"() ({
      %run_scoped3A = tpu.sem_alloc : memref<!tpu.dma_semaphore, #tpu.memory_space<semaphore_mem>>
      %dma_start3A = tpu.memref_slice %arg8[%mul3A_15] : memref<320000xf32, #tpu.memory_space<hbm>> -> memref<10000xf32, #tpu.memory_space<hbm>>
      %dma_start3A_16 = tpu.memref_slice %arg8[%mul3A_15] : memref<320000xf32, #tpu.memory_space<hbm>> -> memref<10000xf32, #tpu.memory_space<hbm>>
      tpu.enqueue_dma source(%arg11 : memref<10000xf32, #tpu.memory_space<vmem>>) target(%dma_start3A_16 : memref<10000xf32, #tpu.memory_space<hbm>>) target_semaphore(%run_scoped3A : memref<!tpu.dma_semaphore, #tpu.memory_space<semaphore_mem>>)
      %dma_wait3A = tpu.memref_slice %arg8[%mul3A_15] : memref<320000xf32, #tpu.memory_space<hbm>> -> memref<10000xf32, #tpu.memory_space<hbm>>
      %dma_wait3A_17 = tpu.memref_slice %arg8[%mul3A_15] : memref<320000xf32, #tpu.memory_space<hbm>> -> memref<10000xf32, #tpu.memory_space<hbm>>
      tpu.wait_dma2 semaphore(%run_scoped3A : memref<!tpu.dma_semaphore, #tpu.memory_space<semaphore_mem>>) src(%arg11 : memref<10000xf32, #tpu.memory_space<vmem>>) dst(%dma_wait3A_17 : memref<10000xf32, #tpu.memory_space<hbm>>)
      tpu.yield
    }) : () -> ()
    return
  }
}

#map = affine_map<(d0, d1) -> (0, 0)>
#map1 = affine_map<(d0, d1) -> (0)>
module attributes {stable_mosaic.version = 14 : i64} {
  func.func @_sc_agg_body(%arg0: i32, %arg1: i32, %arg2: memref<64x10000xf32, #tpu.memory_space<hbm>>, %arg3: memref<320000xf32, #tpu.memory_space<hbm>>, %arg4: memref<320000xi32, #tpu.memory_space<hbm>>, %arg5: memref<1280000xf32, #tpu.memory_space<hbm>>, %arg6: memref<2x10000xf32, #tpu.memory_space<vmem>>, %arg7: memref<20000xf32, #tpu.memory_space<vmem>>, %arg8: memref<40000xf32, #tpu.memory_space<vmem>>, %arg9: memref<8000xi32, #tpu.memory_space<vmem>>, %arg10: memref<8000xf32, #tpu.memory_space<vmem>>, %arg11: memref<8000xi32, #tpu.memory_space<vmem>>, %arg12: memref<8000xf32, #tpu.memory_space<vmem>>, %arg13: memref<!tpu.dma_semaphore, #tpu.memory_space<semaphore_mem>>, %arg14: memref<!tpu.dma_semaphore, #tpu.memory_space<semaphore_mem>>) attributes {dimension_semantics = [#tpu.dimension_semantics<core_parallel>, #tpu.dimension_semantics<subcore_parallel>], iteration_bounds = array<i64: 2, 16>, scalar_prefetch = 0 : i64, scratch_operands = 9 : i64, tpu.core_type = #tpu.core_type<sc_vector_subcore>, window_params = [{transform_indices = #map}, {transform_indices = #map1}, {transform_indices = #map1}, {transform_indices = #map1}]} {
    %mul3A = arith.constant 2 : i32
    %mul3A_0 = arith.muli %arg1, %mul3A : i32
    %add3A = arith.addi %mul3A_0, %arg0 : i32
    %mul3A_1 = arith.constant 2 : i32
    %mul3A_2 = arith.muli %add3A, %mul3A_1 : i32
    "tpu.region"() ({
      %run_scoped3A = tpu.sem_alloc : memref<!tpu.dma_semaphore, #tpu.memory_space<semaphore_mem>>
      %dma_start3A_43 = arith.constant 0 : i32
      %dma_start3A_44 = tpu.memref_slice %arg2[%mul3A_2, %dma_start3A_43] : memref<64x10000xf32, #tpu.memory_space<hbm>> -> memref<2x10000xf32, #tpu.memory_space<hbm>>
      %dma_start3A_45 = arith.constant 0 : i32
      %dma_start3A_46 = tpu.memref_slice %arg2[%mul3A_2, %dma_start3A_45] : memref<64x10000xf32, #tpu.memory_space<hbm>> -> memref<2x10000xf32, #tpu.memory_space<hbm>>
      tpu.enqueue_dma source(%dma_start3A_46 : memref<2x10000xf32, #tpu.memory_space<hbm>>) target(%arg6 : memref<2x10000xf32, #tpu.memory_space<vmem>>) target_semaphore(%run_scoped3A : memref<!tpu.dma_semaphore, #tpu.memory_space<semaphore_mem>>)
      %dma_wait3A = arith.constant 0 : i32
      %dma_wait3A_47 = tpu.memref_slice %arg2[%mul3A_2, %dma_wait3A] : memref<64x10000xf32, #tpu.memory_space<hbm>> -> memref<2x10000xf32, #tpu.memory_space<hbm>>
      %dma_wait3A_48 = arith.constant 0 : i32
      %dma_wait3A_49 = tpu.memref_slice %arg2[%mul3A_2, %dma_wait3A_48] : memref<64x10000xf32, #tpu.memory_space<hbm>> -> memref<2x10000xf32, #tpu.memory_space<hbm>>
      tpu.wait_dma2 semaphore(%run_scoped3A : memref<!tpu.dma_semaphore, #tpu.memory_space<semaphore_mem>>) src(%dma_wait3A_49 : memref<2x10000xf32, #tpu.memory_space<hbm>>) dst(%arg6 : memref<2x10000xf32, #tpu.memory_space<vmem>>)
      tpu.yield
    }) : () -> ()
    %parallel_loop3A = arith.constant 0 : i32
    %parallel_loop3A_3 = arith.constant 625 : i32
    %parallel_loop3A_4 = arith.constant 1 : i32
    scf.for %parallel_loop3A_43 = %parallel_loop3A to %parallel_loop3A_3 step %parallel_loop3A_4  : i32 {
      %parallel_loop3A_44 = arith.constant 16 : i32
      %parallel_loop3A_45 = arith.muli %parallel_loop3A_43, %parallel_loop3A_44 : i32
      %parallel_loop3A_46 = arith.constant 0 : i32
      %parallel_loop3A_47 = arith.index_cast %parallel_loop3A_46 : i32 to index
      %parallel_loop3A_48 = arith.index_cast %parallel_loop3A_45 : i32 to index
      %parallel_loop3A_49 = tpu.vector_load %arg6[%parallel_loop3A_47, %parallel_loop3A_48] {strides = array<i32>} : memref<2x10000xf32, #tpu.memory_space<vmem>>, vector<16xf32>,
      %parallel_loop3A_50 = arith.constant 16 : i32
      %parallel_loop3A_51 = arith.muli %parallel_loop3A_43, %parallel_loop3A_50 : i32
      %parallel_loop3A_52 = arith.constant 0 : i32
      %parallel_loop3A_53 = arith.addi %parallel_loop3A_52, %parallel_loop3A_51 : i32
      %parallel_loop3A_54 = arith.index_cast %parallel_loop3A_53 : i32 to index
      %parallel_loop3A_55 = tpu.vector_load %arg7[%parallel_loop3A_54] {strides = array<i32>} : memref<20000xf32, #tpu.memory_space<vmem>>, vector<16xf32>,
      tpu.vector_store %arg7[%parallel_loop3A_54], %parallel_loop3A_49 {strides = array<i32>} : memref<20000xf32, #tpu.memory_space<vmem>>, vector<16xf32>,
      %parallel_loop3A_56 = arith.constant 16 : i32
      %parallel_loop3A_57 = arith.muli %parallel_loop3A_43, %parallel_loop3A_56 : i32
      %parallel_loop3A_58 = arith.constant 1 : i32
      %parallel_loop3A_59 = arith.index_cast %parallel_loop3A_58 : i32 to index
      %parallel_loop3A_60 = arith.index_cast %parallel_loop3A_57 : i32 to index
      %parallel_loop3A_61 = tpu.vector_load %arg6[%parallel_loop3A_59, %parallel_loop3A_60] {strides = array<i32>} : memref<2x10000xf32, #tpu.memory_space<vmem>>, vector<16xf32>,
      %parallel_loop3A_62 = arith.constant 16 : i32
      %parallel_loop3A_63 = arith.muli %parallel_loop3A_43, %parallel_loop3A_62 : i32
      %parallel_loop3A_64 = arith.constant 10000 : i32
      %parallel_loop3A_65 = arith.addi %parallel_loop3A_64, %parallel_loop3A_63 : i32
      %parallel_loop3A_66 = arith.index_cast %parallel_loop3A_65 : i32 to index
      %parallel_loop3A_67 = tpu.vector_load %arg7[%parallel_loop3A_66] {strides = array<i32>} : memref<20000xf32, #tpu.memory_space<vmem>>, vector<16xf32>,
      tpu.vector_store %arg7[%parallel_loop3A_66], %parallel_loop3A_61 {strides = array<i32>} : memref<20000xf32, #tpu.memory_space<vmem>>, vector<16xf32>,
    } {sc.loop_unroll_factor = 8 : i64, sc.parallel_access}
    %broadcast_in_dim3A = arith.constant 0.000000e+00 : f32
    %broadcast_in_dim3A_5 = vector.broadcast %broadcast_in_dim3A : f32 to vector<16xf32>
    %broadcast_in_dim3A_6 = arith.constant 16383 : i32
    %broadcast_in_dim3A_7 = vector.broadcast %broadcast_in_dim3A_6 : i32 to vector<16xi32>
    %broadcast_in_dim3A_8 = arith.constant 14 : i32
    %broadcast_in_dim3A_9 = vector.broadcast %broadcast_in_dim3A_8 : i32 to vector<16xi32>
    %broadcast_in_dim3A_10 = arith.constant 16 : i32
    %broadcast_in_dim3A_11 = vector.broadcast %broadcast_in_dim3A_10 : i32 to vector<16xi32>
    %broadcast_in_dim3A_12 = arith.constant -65536 : i32
    %broadcast_in_dim3A_13 = vector.broadcast %broadcast_in_dim3A_12 : i32 to vector<16xi32>
    %parallel_loop3A_14 = arith.constant 0 : i32
    %parallel_loop3A_15 = arith.constant 2500 : i32
    %parallel_loop3A_16 = arith.constant 1 : i32
    scf.for %parallel_loop3A_43 = %parallel_loop3A_14 to %parallel_loop3A_15 step %parallel_loop3A_16  : i32 {
      %parallel_loop3A_44 = arith.constant 16 : i32
      %parallel_loop3A_45 = arith.muli %parallel_loop3A_43, %parallel_loop3A_44 : i32
      %parallel_loop3A_46 = arith.index_cast %parallel_loop3A_45 : i32 to index
      %parallel_loop3A_47 = tpu.vector_load %arg8[%parallel_loop3A_46] {strides = array<i32>} : memref<40000xf32, #tpu.memory_space<vmem>>, vector<16xf32>,
      tpu.vector_store %arg8[%parallel_loop3A_46], %broadcast_in_dim3A_5 {strides = array<i32>} : memref<40000xf32, #tpu.memory_space<vmem>>, vector<16xf32>,
    } {sc.loop_unroll_factor = 8 : i64, sc.parallel_access}
    %broadcast_in_dim3A_17 = arith.constant 0 : i32
    %broadcast_in_dim3A_18 = vector.broadcast %broadcast_in_dim3A_17 : i32 to vector<16xi32>
    %broadcast_in_dim3A_19 = arith.constant 10000 : i32
    %broadcast_in_dim3A_20 = vector.broadcast %broadcast_in_dim3A_19 : i32 to vector<16xi32>
    %broadcast_in_dim3A_21 = arith.constant 0 : i32
    %broadcast_in_dim3A_22 = vector.broadcast %broadcast_in_dim3A_21 : i32 to vector<16xi32>
    %broadcast_in_dim3A_23 = arith.constant 10000 : i32
    %broadcast_in_dim3A_24 = vector.broadcast %broadcast_in_dim3A_23 : i32 to vector<16xi32>
    %broadcast_in_dim3A_25 = arith.constant 20000 : i32
    %broadcast_in_dim3A_26 = vector.broadcast %broadcast_in_dim3A_25 : i32 to vector<16xi32>
    %broadcast_in_dim3A_27 = arith.constant 30000 : i32
    %broadcast_in_dim3A_28 = vector.broadcast %broadcast_in_dim3A_27 : i32 to vector<16xi32>
    %dma_start3A = arith.constant 0 : i32
    %dma_start3A_29 = tpu.memref_slice %arg4[%dma_start3A] : memref<320000xi32, #tpu.memory_space<hbm>> -> memref<8000xi32, #tpu.memory_space<hbm>>
    %dma_start3A_30 = arith.constant 0 : i32
    %dma_start3A_31 = tpu.memref_slice %arg4[%dma_start3A_30] : memref<320000xi32, #tpu.memory_space<hbm>> -> memref<8000xi32, #tpu.memory_space<hbm>>
    tpu.enqueue_dma source(%dma_start3A_31 : memref<8000xi32, #tpu.memory_space<hbm>>) target(%arg9 : memref<8000xi32, #tpu.memory_space<vmem>>) target_semaphore(%arg13 : memref<!tpu.dma_semaphore, #tpu.memory_space<semaphore_mem>>)
    %dma_start3A_32 = arith.constant 0 : i32
    %dma_start3A_33 = tpu.memref_slice %arg3[%dma_start3A_32] : memref<320000xf32, #tpu.memory_space<hbm>> -> memref<8000xf32, #tpu.memory_space<hbm>>
    %dma_start3A_34 = arith.constant 0 : i32
    %dma_start3A_35 = tpu.memref_slice %arg3[%dma_start3A_34] : memref<320000xf32, #tpu.memory_space<hbm>> -> memref<8000xf32, #tpu.memory_space<hbm>>
    tpu.enqueue_dma source(%dma_start3A_35 : memref<8000xf32, #tpu.memory_space<hbm>>) target(%arg10 : memref<8000xf32, #tpu.memory_space<vmem>>) target_semaphore(%arg13 : memref<!tpu.dma_semaphore, #tpu.memory_space<semaphore_mem>>)
    %scan3A = arith.constant 0 : i32
    %scan3A_36 = arith.constant 0 : i32
    %scan3A_37 = arith.constant 20 : i32
    %scan3A_38 = arith.addi %scan3A_36, %scan3A_37 : i32
    %scan3A_39 = arith.constant 1 : i32
    scf.for %scan3A_43 = %scan3A_36 to %scan3A_38 step %scan3A_39  : i32 {
      %mul3A_44 = arith.constant 2 : i32
      %mul3A_45 = arith.muli %mul3A_44, %scan3A_43 : i32
      %add3A_46 = arith.constant 1 : i32
      %add3A_47 = arith.addi %mul3A_45, %add3A_46 : i32
      %mul3A_48 = arith.constant 8000 : i32
      %mul3A_49 = arith.muli %add3A_47, %mul3A_48 : i32
      %dma_start3A_50 = tpu.memref_slice %arg4[%mul3A_49] : memref<320000xi32, #tpu.memory_space<hbm>> -> memref<8000xi32, #tpu.memory_space<hbm>>
      %dma_start3A_51 = tpu.memref_slice %arg4[%mul3A_49] : memref<320000xi32, #tpu.memory_space<hbm>> -> memref<8000xi32, #tpu.memory_space<hbm>>
      tpu.enqueue_dma source(%dma_start3A_51 : memref<8000xi32, #tpu.memory_space<hbm>>) target(%arg11 : memref<8000xi32, #tpu.memory_space<vmem>>) target_semaphore(%arg14 : memref<!tpu.dma_semaphore, #tpu.memory_space<semaphore_mem>>)
      %dma_start3A_52 = tpu.memref_slice %arg3[%mul3A_49] : memref<320000xf32, #tpu.memory_space<hbm>> -> memref<8000xf32, #tpu.memory_space<hbm>>
      %dma_start3A_53 = tpu.memref_slice %arg3[%mul3A_49] : memref<320000xf32, #tpu.memory_space<hbm>> -> memref<8000xf32, #tpu.memory_space<hbm>>
      tpu.enqueue_dma source(%dma_start3A_53 : memref<8000xf32, #tpu.memory_space<hbm>>) target(%arg12 : memref<8000xf32, #tpu.memory_space<vmem>>) target_semaphore(%arg14 : memref<!tpu.dma_semaphore, #tpu.memory_space<semaphore_mem>>)
      %mul3A_54 = arith.constant 8000 : i32
      %mul3A_55 = arith.muli %mul3A_45, %mul3A_54 : i32
      %dma_wait3A = tpu.memref_slice %arg4[%mul3A_55] : memref<320000xi32, #tpu.memory_space<hbm>> -> memref<8000xi32, #tpu.memory_space<hbm>>
      %dma_wait3A_56 = tpu.memref_slice %arg4[%mul3A_55] : memref<320000xi32, #tpu.memory_space<hbm>> -> memref<8000xi32, #tpu.memory_space<hbm>>
      tpu.wait_dma2 semaphore(%arg13 : memref<!tpu.dma_semaphore, #tpu.memory_space<semaphore_mem>>) src(%dma_wait3A_56 : memref<8000xi32, #tpu.memory_space<hbm>>) dst(%arg9 : memref<8000xi32, #tpu.memory_space<vmem>>)
      %dma_wait3A_57 = tpu.memref_slice %arg3[%mul3A_55] : memref<320000xf32, #tpu.memory_space<hbm>> -> memref<8000xf32, #tpu.memory_space<hbm>>
      %dma_wait3A_58 = tpu.memref_slice %arg3[%mul3A_55] : memref<320000xf32, #tpu.memory_space<hbm>> -> memref<8000xf32, #tpu.memory_space<hbm>>
      tpu.wait_dma2 semaphore(%arg13 : memref<!tpu.dma_semaphore, #tpu.memory_space<semaphore_mem>>) src(%dma_wait3A_58 : memref<8000xf32, #tpu.memory_space<hbm>>) dst(%arg10 : memref<8000xf32, #tpu.memory_space<vmem>>)
      %parallel_loop3A_59 = arith.constant 0 : i32
      %parallel_loop3A_60 = arith.constant 500 : i32
      %parallel_loop3A_61 = arith.constant 1 : i32
      scf.for %parallel_loop3A_77 = %parallel_loop3A_59 to %parallel_loop3A_60 step %parallel_loop3A_61  : i32 {
        %parallel_loop3A_78 = arith.constant 16 : i32
        %parallel_loop3A_79 = arith.muli %parallel_loop3A_77, %parallel_loop3A_78 : i32
        %parallel_loop3A_80 = arith.index_cast %parallel_loop3A_79 : i32 to index
        %parallel_loop3A_81 = tpu.vector_load %arg9[%parallel_loop3A_80] {strides = array<i32>} : memref<8000xi32, #tpu.memory_space<vmem>>, vector<16xi32>,
        %parallel_loop3A_82 = arith.shrui %parallel_loop3A_81, %broadcast_in_dim3A_9 : vector<16xi32>
        %parallel_loop3A_83 = arith.andi %parallel_loop3A_81, %broadcast_in_dim3A_7 : vector<16xi32>
        %parallel_loop3A_84 = arith.index_cast %parallel_loop3A_79 : i32 to index
        %parallel_loop3A_85 = tpu.vector_load %arg10[%parallel_loop3A_84] {strides = array<i32>} : memref<8000xf32, #tpu.memory_space<vmem>>, vector<16xf32>,
        %parallel_loop3A_86 = arith.addi %parallel_loop3A_83, %broadcast_in_dim3A_18 : vector<16xi32>
        %parallel_loop3A_87 = tpu.vector_load_idx %arg7[%parallel_loop3A_86] : memref<20000xf32, #tpu.memory_space<vmem>>[vector<16xi32>], vector<16xf32>,
        %parallel_loop3A_88 = vector.bitcast %parallel_loop3A_87 : vector<16xf32> to vector<16xi32>
        %parallel_loop3A_89 = arith.shli %parallel_loop3A_88, %broadcast_in_dim3A_11 : vector<16xi32>
        %parallel_loop3A_90 = vector.bitcast %parallel_loop3A_89 : vector<16xi32> to vector<16xf32>
        %parallel_loop3A_91 = arith.andi %parallel_loop3A_88, %broadcast_in_dim3A_13 : vector<16xi32>
        %parallel_loop3A_92 = vector.bitcast %parallel_loop3A_91 : vector<16xi32> to vector<16xf32>
        %parallel_loop3A_93 = arith.addi %parallel_loop3A_82, %broadcast_in_dim3A_22 : vector<16xi32>
        %parallel_loop3A_94 = arith.mulf %parallel_loop3A_85, %parallel_loop3A_90 : vector<16xf32>
        tpu.vector_store_idx %arg8[%parallel_loop3A_93], %parallel_loop3A_94 {add = true} : memref<40000xf32, #tpu.memory_space<vmem>>[vector<16xi32>], vector<16xf32>,
        %parallel_loop3A_95 = arith.addi %parallel_loop3A_82, %broadcast_in_dim3A_24 : vector<16xi32>
        %parallel_loop3A_96 = arith.mulf %parallel_loop3A_85, %parallel_loop3A_92 : vector<16xf32>
        tpu.vector_store_idx %arg8[%parallel_loop3A_95], %parallel_loop3A_96 {add = true} : memref<40000xf32, #tpu.memory_space<vmem>>[vector<16xi32>], vector<16xf32>,
        %parallel_loop3A_97 = arith.addi %parallel_loop3A_83, %broadcast_in_dim3A_20 : vector<16xi32>
        %parallel_loop3A_98 = tpu.vector_load_idx %arg7[%parallel_loop3A_97] : memref<20000xf32, #tpu.memory_space<vmem>>[vector<16xi32>], vector<16xf32>,
        %parallel_loop3A_99 = vector.bitcast %parallel_loop3A_98 : vector<16xf32> to vector<16xi32>
        %parallel_loop3A_100 = arith.shli %parallel_loop3A_99, %broadcast_in_dim3A_11 : vector<16xi32>
        %parallel_loop3A_101 = vector.bitcast %parallel_loop3A_100 : vector<16xi32> to vector<16xf32>
        %parallel_loop3A_102 = arith.andi %parallel_loop3A_99, %broadcast_in_dim3A_13 : vector<16xi32>
        %parallel_loop3A_103 = vector.bitcast %parallel_loop3A_102 : vector<16xi32> to vector<16xf32>
        %parallel_loop3A_104 = arith.addi %parallel_loop3A_82, %broadcast_in_dim3A_26 : vector<16xi32>
        %parallel_loop3A_105 = arith.mulf %parallel_loop3A_85, %parallel_loop3A_101 : vector<16xf32>
        tpu.vector_store_idx %arg8[%parallel_loop3A_104], %parallel_loop3A_105 {add = true} : memref<40000xf32, #tpu.memory_space<vmem>>[vector<16xi32>], vector<16xf32>,
        %parallel_loop3A_106 = arith.addi %parallel_loop3A_82, %broadcast_in_dim3A_28 : vector<16xi32>
        %parallel_loop3A_107 = arith.mulf %parallel_loop3A_85, %parallel_loop3A_103 : vector<16xf32>
        tpu.vector_store_idx %arg8[%parallel_loop3A_106], %parallel_loop3A_107 {add = true} : memref<40000xf32, #tpu.memory_space<vmem>>[vector<16xi32>], vector<16xf32>,
      } {sc.loop_unroll_factor = 16 : i64, sc.parallel_access}
      %add3A_62 = arith.constant 2 : i32
      %add3A_63 = arith.addi %mul3A_45, %add3A_62 : i32
      %lt3A = arith.constant 40 : i32
      %lt3A_64 = arith.cmpi slt, %add3A_63, %lt3A : i32
      %convert_element_type3A = arith.extui %lt3A_64 : i1 to i32
      %cond3A = arith.constant 0 : i32
      %cond3A_65 = arith.cmpi ne, %convert_element_type3A, %cond3A : i32
      scf.if %cond3A_65 {
        %add3A_77 = arith.constant 2 : i32
        %add3A_78 = arith.addi %mul3A_45, %add3A_77 : i32
        %mul3A_79 = arith.constant 8000 : i32
        %mul3A_80 = arith.muli %add3A_78, %mul3A_79 : i32
        %dma_start3A_81 = tpu.memref_slice %arg4[%mul3A_80] : memref<320000xi32, #tpu.memory_space<hbm>> -> memref<8000xi32, #tpu.memory_space<hbm>>
        %dma_start3A_82 = tpu.memref_slice %arg4[%mul3A_80] : memref<320000xi32, #tpu.memory_space<hbm>> -> memref<8000xi32, #tpu.memory_space<hbm>>
        tpu.enqueue_dma source(%dma_start3A_82 : memref<8000xi32, #tpu.memory_space<hbm>>) target(%arg9 : memref<8000xi32, #tpu.memory_space<vmem>>) target_semaphore(%arg13 : memref<!tpu.dma_semaphore, #tpu.memory_space<semaphore_mem>>)
        %dma_start3A_83 = tpu.memref_slice %arg3[%mul3A_80] : memref<320000xf32, #tpu.memory_space<hbm>> -> memref<8000xf32, #tpu.memory_space<hbm>>
        %dma_start3A_84 = tpu.memref_slice %arg3[%mul3A_80] : memref<320000xf32, #tpu.memory_space<hbm>> -> memref<8000xf32, #tpu.memory_space<hbm>>
        tpu.enqueue_dma source(%dma_start3A_84 : memref<8000xf32, #tpu.memory_space<hbm>>) target(%arg10 : memref<8000xf32, #tpu.memory_space<vmem>>) target_semaphore(%arg13 : memref<!tpu.dma_semaphore, #tpu.memory_space<semaphore_mem>>)
      } else {
      }
      %add3A_66 = arith.constant 1 : i32
      %add3A_67 = arith.addi %mul3A_45, %add3A_66 : i32
      %mul3A_68 = arith.constant 8000 : i32
      %mul3A_69 = arith.muli %add3A_67, %mul3A_68 : i32
      %dma_wait3A_70 = tpu.memref_slice %arg4[%mul3A_69] : memref<320000xi32, #tpu.memory_space<hbm>> -> memref<8000xi32, #tpu.memory_space<hbm>>
      %dma_wait3A_71 = tpu.memref_slice %arg4[%mul3A_69] : memref<320000xi32, #tpu.memory_space<hbm>> -> memref<8000xi32, #tpu.memory_space<hbm>>
      tpu.wait_dma2 semaphore(%arg14 : memref<!tpu.dma_semaphore, #tpu.memory_space<semaphore_mem>>) src(%dma_wait3A_71 : memref<8000xi32, #tpu.memory_space<hbm>>) dst(%arg11 : memref<8000xi32, #tpu.memory_space<vmem>>)
      %dma_wait3A_72 = tpu.memref_slice %arg3[%mul3A_69] : memref<320000xf32, #tpu.memory_space<hbm>> -> memref<8000xf32, #tpu.memory_space<hbm>>
      %dma_wait3A_73 = tpu.memref_slice %arg3[%mul3A_69] : memref<320000xf32, #tpu.memory_space<hbm>> -> memref<8000xf32, #tpu.memory_space<hbm>>
      tpu.wait_dma2 semaphore(%arg14 : memref<!tpu.dma_semaphore, #tpu.memory_space<semaphore_mem>>) src(%dma_wait3A_73 : memref<8000xf32, #tpu.memory_space<hbm>>) dst(%arg12 : memref<8000xf32, #tpu.memory_space<vmem>>)
      %parallel_loop3A_74 = arith.constant 0 : i32
      %parallel_loop3A_75 = arith.constant 500 : i32
      %parallel_loop3A_76 = arith.constant 1 : i32
      scf.for %parallel_loop3A_77 = %parallel_loop3A_74 to %parallel_loop3A_75 step %parallel_loop3A_76  : i32 {
        %parallel_loop3A_78 = arith.constant 16 : i32
        %parallel_loop3A_79 = arith.muli %parallel_loop3A_77, %parallel_loop3A_78 : i32
        %parallel_loop3A_80 = arith.index_cast %parallel_loop3A_79 : i32 to index
        %parallel_loop3A_81 = tpu.vector_load %arg11[%parallel_loop3A_80] {strides = array<i32>} : memref<8000xi32, #tpu.memory_space<vmem>>, vector<16xi32>,
        %parallel_loop3A_82 = arith.shrui %parallel_loop3A_81, %broadcast_in_dim3A_9 : vector<16xi32>
        %parallel_loop3A_83 = arith.andi %parallel_loop3A_81, %broadcast_in_dim3A_7 : vector<16xi32>
        %parallel_loop3A_84 = arith.index_cast %parallel_loop3A_79 : i32 to index
        %parallel_loop3A_85 = tpu.vector_load %arg12[%parallel_loop3A_84] {strides = array<i32>} : memref<8000xf32, #tpu.memory_space<vmem>>, vector<16xf32>,
        %parallel_loop3A_86 = arith.addi %parallel_loop3A_83, %broadcast_in_dim3A_18 : vector<16xi32>
        %parallel_loop3A_87 = tpu.vector_load_idx %arg7[%parallel_loop3A_86] : memref<20000xf32, #tpu.memory_space<vmem>>[vector<16xi32>], vector<16xf32>,
        %parallel_loop3A_88 = vector.bitcast %parallel_loop3A_87 : vector<16xf32> to vector<16xi32>
        %parallel_loop3A_89 = arith.shli %parallel_loop3A_88, %broadcast_in_dim3A_11 : vector<16xi32>
        %parallel_loop3A_90 = vector.bitcast %parallel_loop3A_89 : vector<16xi32> to vector<16xf32>
        %parallel_loop3A_91 = arith.andi %parallel_loop3A_88, %broadcast_in_dim3A_13 : vector<16xi32>
        %parallel_loop3A_92 = vector.bitcast %parallel_loop3A_91 : vector<16xi32> to vector<16xf32>
        %parallel_loop3A_93 = arith.addi %parallel_loop3A_82, %broadcast_in_dim3A_22 : vector<16xi32>
        %parallel_loop3A_94 = arith.mulf %parallel_loop3A_85, %parallel_loop3A_90 : vector<16xf32>
        tpu.vector_store_idx %arg8[%parallel_loop3A_93], %parallel_loop3A_94 {add = true} : memref<40000xf32, #tpu.memory_space<vmem>>[vector<16xi32>], vector<16xf32>,
        %parallel_loop3A_95 = arith.addi %parallel_loop3A_82, %broadcast_in_dim3A_24 : vector<16xi32>
        %parallel_loop3A_96 = arith.mulf %parallel_loop3A_85, %parallel_loop3A_92 : vector<16xf32>
        tpu.vector_store_idx %arg8[%parallel_loop3A_95], %parallel_loop3A_96 {add = true} : memref<40000xf32, #tpu.memory_space<vmem>>[vector<16xi32>], vector<16xf32>,
        %parallel_loop3A_97 = arith.addi %parallel_loop3A_83, %broadcast_in_dim3A_20 : vector<16xi32>
        %parallel_loop3A_98 = tpu.vector_load_idx %arg7[%parallel_loop3A_97] : memref<20000xf32, #tpu.memory_space<vmem>>[vector<16xi32>], vector<16xf32>,
        %parallel_loop3A_99 = vector.bitcast %parallel_loop3A_98 : vector<16xf32> to vector<16xi32>
        %parallel_loop3A_100 = arith.shli %parallel_loop3A_99, %broadcast_in_dim3A_11 : vector<16xi32>
        %parallel_loop3A_101 = vector.bitcast %parallel_loop3A_100 : vector<16xi32> to vector<16xf32>
        %parallel_loop3A_102 = arith.andi %parallel_loop3A_99, %broadcast_in_dim3A_13 : vector<16xi32>
        %parallel_loop3A_103 = vector.bitcast %parallel_loop3A_102 : vector<16xi32> to vector<16xf32>
        %parallel_loop3A_104 = arith.addi %parallel_loop3A_82, %broadcast_in_dim3A_26 : vector<16xi32>
        %parallel_loop3A_105 = arith.mulf %parallel_loop3A_85, %parallel_loop3A_101 : vector<16xf32>
        tpu.vector_store_idx %arg8[%parallel_loop3A_104], %parallel_loop3A_105 {add = true} : memref<40000xf32, #tpu.memory_space<vmem>>[vector<16xi32>], vector<16xf32>,
        %parallel_loop3A_106 = arith.addi %parallel_loop3A_82, %broadcast_in_dim3A_28 : vector<16xi32>
        %parallel_loop3A_107 = arith.mulf %parallel_loop3A_85, %parallel_loop3A_103 : vector<16xf32>
        tpu.vector_store_idx %arg8[%parallel_loop3A_106], %parallel_loop3A_107 {add = true} : memref<40000xf32, #tpu.memory_space<vmem>>[vector<16xi32>], vector<16xf32>,
      } {sc.loop_unroll_factor = 16 : i64, sc.parallel_access}
    }
    %scan3A_40 = arith.constant 20 : i32
    %mul3A_41 = arith.constant 40000 : i32
    %mul3A_42 = arith.muli %add3A, %mul3A_41 : i32
    "tpu.region"() ({
      %run_scoped3A = tpu.sem_alloc : memref<!tpu.dma_semaphore, #tpu.memory_space<semaphore_mem>>
      %dma_start3A_43 = tpu.memref_slice %arg5[%mul3A_42] : memref<1280000xf32, #tpu.memory_space<hbm>> -> memref<40000xf32, #tpu.memory_space<hbm>>
      %dma_start3A_44 = tpu.memref_slice %arg5[%mul3A_42] : memref<1280000xf32, #tpu.memory_space<hbm>> -> memref<40000xf32, #tpu.memory_space<hbm>>
      tpu.enqueue_dma source(%arg8 : memref<40000xf32, #tpu.memory_space<vmem>>) target(%dma_start3A_44 : memref<40000xf32, #tpu.memory_space<hbm>>) target_semaphore(%run_scoped3A : memref<!tpu.dma_semaphore, #tpu.memory_space<semaphore_mem>>)
      %dma_wait3A = tpu.memref_slice %arg5[%mul3A_42] : memref<1280000xf32, #tpu.memory_space<hbm>> -> memref<40000xf32, #tpu.memory_space<hbm>>
      %dma_wait3A_45 = tpu.memref_slice %arg5[%mul3A_42] : memref<1280000xf32, #tpu.memory_space<hbm>> -> memref<40000xf32, #tpu.memory_space<hbm>>
      tpu.wait_dma2 semaphore(%run_scoped3A : memref<!tpu.dma_semaphore, #tpu.memory_space<semaphore_mem>>) src(%arg8 : memref<40000xf32, #tpu.memory_space<vmem>>) dst(%dma_wait3A_45 : memref<40000xf32, #tpu.memory_space<hbm>>)
      tpu.yield
    }) : () -> ()
    return
  }
}

module attributes {stable_mosaic.version = 14 : i64} {
  func.func @_nodes_body(%arg0: memref<10000x128xf32, #tpu.memory_space<vmem>>, %arg1: memref<128x128xf32, #tpu.memory_space<vmem>>, %arg2: memref<1x128xf32, #tpu.memory_space<vmem>>, %arg3: memref<2x128xf32, #tpu.memory_space<vmem>>, %arg4: memref<2x320000xi32, #tpu.memory_space<vmem>>, %arg5: memref<64x10000xf32, #tpu.memory_space<vmem>>, %arg6: memref<10000xf32, #tpu.memory_space<vmem>>, %arg7: memref<10000xf32, #tpu.memory_space<vmem>>, %arg8: memref<2xf32, #tpu.memory_space<vmem>>, %arg9: memref<320000xi32, #tpu.memory_space<vmem>>) attributes {dimension_semantics = [], scalar_prefetch = 0 : i64, scratch_operands = 0 : i64, tpu.core_type = #tpu.core_type<tc>} {
    %get3A = arith.constant 0 : index
    %get3A_0 = arith.constant 0 : index
    %get3A_1 = vector.load %arg0[%get3A, %get3A_0] : memref<10000x128xf32, #tpu.memory_space<vmem>>, vector<10000x128xf32>
    %get3A_2 = arith.constant 0 : index
    %get3A_3 = arith.constant 0 : index
    %get3A_4 = vector.load %arg1[%get3A_2, %get3A_3] : memref<128x128xf32, #tpu.memory_space<vmem>>, vector<128x128xf32>
    %dot_general3A = arith.constant dense<0.000000e+00> : vector<10000x128xf32>
    %dot_general3A_5 = tpu.matmul %get3A_1, %get3A_4, %dot_general3A {dimension_numbers = #tpu.dot_dimension_numbers<[1], [0], [0], [1], [0, 0, 1, 1], [], []>, transpose_lhs_hint = false} : vector<10000x128xf32>, vector<128x128xf32>, vector<10000x128xf32> -> vector<10000x128xf32>
    %get3A_6 = arith.constant 0 : index
    %get3A_7 = arith.constant 0 : index
    %get3A_8 = vector.load %arg2[%get3A_6, %get3A_7] : memref<1x128xf32, #tpu.memory_space<vmem>>, vector<1x128xf32>
    %add3A = vector.broadcast %get3A_8 : vector<1x128xf32> to vector<10000x128xf32>
    %add3A_9 = arith.addf %dot_general3A_5, %add3A : vector<10000x128xf32>
    %mul3A = arith.constant 2.000000e-01 : f32
    %mul3A_10 = vector.broadcast %mul3A : f32 to vector<10000x128xf32>
    %mul3A_11 = arith.mulf %mul3A_10, %add3A_9 : vector<10000x128xf32>
    %max3A = arith.maximumf %add3A_9, %mul3A_11 : vector<10000x128xf32>
    %transpose3A = tpu.transpose %max3A, [1, 0] : vector<10000x128xf32> -> vector<128x10000xf32>
    %get3A_12 = arith.constant 0 : index
    %get3A_13 = arith.constant 0 : index
    %get3A_14 = vector.load %arg3[%get3A_12, %get3A_13] : memref<2x128xf32, #tpu.memory_space<vmem>>, vector<2x128xf32>
    %dot_general3A_15 = arith.constant dense<0.000000e+00> : vector<2x10000xf32>
    %dot_general3A_16 = tpu.matmul %get3A_14, %transpose3A, %dot_general3A_15 {dimension_numbers = #tpu.dot_dimension_numbers<[1], [0], [0], [1], [0, 0, 1, 1], [], []>, transpose_lhs_hint = false} : vector<2x128xf32>, vector<128x10000xf32>, vector<2x10000xf32> -> vector<2x10000xf32>
    %slice3A = vector.extract_strided_slice %dot_general3A_16 {offsets = [0, 0], sizes = [1, 10000], strides = [1, 1]} : vector<2x10000xf32> to vector<1x10000xf32>
    %squeeze3A = vector.shape_cast %slice3A : vector<1x10000xf32> to vector<10000xf32>
    %swap3A = arith.constant 0 : index
    %swap3A_17 = vector.load %arg6[%swap3A] : memref<10000xf32, #tpu.memory_space<vmem>>, vector<10000xf32>
    tpu.vector_store %arg6[%swap3A], %squeeze3A {strides = array<i32>} : memref<10000xf32, #tpu.memory_space<vmem>>, vector<10000xf32>,
    %slice3A_18 = vector.extract_strided_slice %dot_general3A_16 {offsets = [1, 0], sizes = [1, 10000], strides = [1, 1]} : vector<2x10000xf32> to vector<1x10000xf32>
    %squeeze3A_19 = vector.shape_cast %slice3A_18 : vector<1x10000xf32> to vector<10000xf32>
    %swap3A_20 = arith.constant 0 : index
    %swap3A_21 = vector.load %arg7[%swap3A_20] : memref<10000xf32, #tpu.memory_space<vmem>>, vector<10000xf32>
    tpu.vector_store %arg7[%swap3A_20], %squeeze3A_19 {strides = array<i32>} : memref<10000xf32, #tpu.memory_space<vmem>>, vector<10000xf32>,
    %reduce_max3A = arith.constant dense<0xFF800000> : vector<2xf32>
    %reduce_max3A_22 = vector.multi_reduction <maximumf>, %dot_general3A_16, %reduce_max3A [1] : vector<2x10000xf32> to vector<2xf32>
    %swap3A_23 = arith.constant 0 : index
    %swap3A_24 = vector.load %arg8[%swap3A_23] : memref<2xf32, #tpu.memory_space<vmem>>, vector<2xf32>
    tpu.vector_store %arg8[%swap3A_23], %reduce_max3A_22 {strides = array<i32>} : memref<2xf32, #tpu.memory_space<vmem>>, vector<2xf32>,
    %convert_element_type3A = arith.truncf %transpose3A : vector<128x10000xf32> to vector<128x10000xbf16>
    %reshape3A = vector.shape_cast %convert_element_type3A : vector<128x10000xbf16> to vector<64x2x10000xbf16>
    %slice3A_25 = vector.extract_strided_slice %reshape3A {offsets = [0, 0, 0], sizes = [64, 1, 10000], strides = [1, 1, 1]} : vector<64x2x10000xbf16> to vector<64x1x10000xbf16>
    %squeeze3A_26 = vector.shape_cast %slice3A_25 : vector<64x1x10000xbf16> to vector<64x10000xbf16>
    %bitcast_convert_type3A = tpu.bitcast %squeeze3A_26 : vector<64x10000xbf16> -> vector<64x10000xi16>
    %convert_element_type3A_27 = arith.extui %bitcast_convert_type3A : vector<64x10000xi16> to vector<64x10000xi32>
    %slice3A_28 = vector.extract_strided_slice %reshape3A {offsets = [0, 1, 0], sizes = [64, 1, 10000], strides = [1, 1, 1]} : vector<64x2x10000xbf16> to vector<64x1x10000xbf16>
    %squeeze3A_29 = vector.shape_cast %slice3A_28 : vector<64x1x10000xbf16> to vector<64x10000xbf16>
    %bitcast_convert_type3A_30 = tpu.bitcast %squeeze3A_29 : vector<64x10000xbf16> -> vector<64x10000xi16>
    %convert_element_type3A_31 = arith.extui %bitcast_convert_type3A_30 : vector<64x10000xi16> to vector<64x10000xi32>
    %shift_left3A = arith.constant 16 : i32
    %shift_left3A_32 = vector.broadcast %shift_left3A : i32 to vector<64x10000xi32>
    %shift_left3A_33 = arith.shli %convert_element_type3A_31, %shift_left3A_32 : vector<64x10000xi32>
    %or3A = arith.ori %convert_element_type3A_27, %shift_left3A_33 : vector<64x10000xi32>
    %bitcast_convert_type3A_34 = tpu.bitcast %or3A : vector<64x10000xi32> -> vector<64x10000xf32>
    %swap3A_35 = arith.constant 0 : index
    %swap3A_36 = arith.constant 0 : index
    %swap3A_37 = vector.load %arg5[%swap3A_35, %swap3A_36] : memref<64x10000xf32, #tpu.memory_space<vmem>>, vector<64x10000xf32>
    tpu.vector_store %arg5[%swap3A_35, %swap3A_36], %bitcast_convert_type3A_34 {strides = array<i32>} : memref<64x10000xf32, #tpu.memory_space<vmem>>, vector<64x10000xf32>,
    %get3A_38 = arith.constant 0 : index
    %get3A_39 = arith.constant 0 : index
    %get3A_40 = vector.load %arg4[%get3A_38, %get3A_39] : memref<2x320000xi32, #tpu.memory_space<vmem>>, vector<2x320000xi32>
    %slice3A_41 = vector.extract_strided_slice %get3A_40 {offsets = [0, 0], sizes = [1, 320000], strides = [1, 1]} : vector<2x320000xi32> to vector<1x320000xi32>
    %squeeze3A_42 = vector.shape_cast %slice3A_41 : vector<1x320000xi32> to vector<320000xi32>
    %shift_left3A_43 = arith.constant 14 : i32
    %shift_left3A_44 = vector.broadcast %shift_left3A_43 : i32 to vector<320000xi32>
    %shift_left3A_45 = arith.shli %squeeze3A_42, %shift_left3A_44 : vector<320000xi32>
    %slice3A_46 = vector.extract_strided_slice %get3A_40 {offsets = [1, 0], sizes = [1, 320000], strides = [1, 1]} : vector<2x320000xi32> to vector<1x320000xi32>
    %squeeze3A_47 = vector.shape_cast %slice3A_46 : vector<1x320000xi32> to vector<320000xi32>
    %or3A_48 = arith.ori %shift_left3A_45, %squeeze3A_47 : vector<320000xi32>
    %swap3A_49 = arith.constant 0 : index
    %swap3A_50 = vector.load %arg9[%swap3A_49] : memref<320000xi32, #tpu.memory_space<vmem>>, vector<320000xi32>
    tpu.vector_store %arg9[%swap3A_49], %or3A_48 {strides = array<i32>} : memref<320000xi32, #tpu.memory_space<vmem>>, vector<320000xi32>,
    return
  }
}

module attributes {stable_mosaic.version = 14 : i64} {
  func.func @_edges_body(%arg0: i32, %arg1: memref<6400x16xf32, #tpu.memory_space<vmem>>, %arg2: memref<16x128xf32, #tpu.memory_space<vmem>>, %arg3: memref<128x1xf32, #tpu.memory_space<vmem>>, %arg4: memref<128x1xf32, #tpu.memory_space<vmem>>, %arg5: memref<1x1x6400xf32, #tpu.memory_space<vmem>>, %arg6: memref<1x1x1xf32, #tpu.memory_space<vmem>>) attributes {dimension_semantics = [#tpu.dimension_semantics<arbitrary>], iteration_bounds = array<i64: 50>, scalar_prefetch = 0 : i64, scratch_operands = 0 : i64, tpu.core_type = #tpu.core_type<tc>, window_params = [{transform_indices = @transform_0, window_bounds = array<i64: 6400, 16>}, {pipeline_mode = #tpu.pipeline_mode<synchronous>, transform_indices = @transform_1, window_bounds = array<i64: 16, 128>}, {pipeline_mode = #tpu.pipeline_mode<synchronous>, transform_indices = @transform_2, window_bounds = array<i64: 128, 1>}, {pipeline_mode = #tpu.pipeline_mode<synchronous>, transform_indices = @transform_3, window_bounds = array<i64: 128, 1>}, {transform_indices = @transform_4, window_bounds = array<i64: 1, 1, 6400>}, {transform_indices = @transform_5, window_bounds = array<i64: 1, 1, 1>}]} {
    %get3A = arith.constant 0 : index
    %get3A_0 = arith.constant 0 : index
    %get3A_1 = vector.load %arg2[%get3A, %get3A_0] : memref<16x128xf32, #tpu.memory_space<vmem>>, vector<16x128xf32>
    %convert_element_type3A = arith.truncf %get3A_1 : vector<16x128xf32> to vector<16x128xbf16>
    %get3A_2 = arith.constant 0 : index
    %get3A_3 = arith.constant 0 : index
    %get3A_4 = vector.load %arg1[%get3A_2, %get3A_3] : memref<6400x16xf32, #tpu.memory_space<vmem>>, vector<6400x16xf32>
    %convert_element_type3A_5 = arith.truncf %get3A_4 : vector<6400x16xf32> to vector<6400x16xbf16>
    %dot_general3A = arith.constant dense<0.000000e+00> : vector<128x6400xf32>
    %dot_general3A_6 = tpu.matmul %convert_element_type3A, %convert_element_type3A_5, %dot_general3A {dimension_numbers = #tpu.dot_dimension_numbers<[0], [1], [1], [0], [0, 1, 1, 0], [], []>, transpose_lhs_hint = false} : vector<16x128xbf16>, vector<6400x16xbf16>, vector<128x6400xf32> -> vector<128x6400xf32>
    %get3A_7 = arith.constant 0 : index
    %get3A_8 = arith.constant 0 : index
    %get3A_9 = vector.load %arg3[%get3A_7, %get3A_8] : memref<128x1xf32, #tpu.memory_space<vmem>>, vector<128x1xf32>
    %add3A = vector.broadcast %get3A_9 : vector<128x1xf32> to vector<128x6400xf32>
    %add3A_10 = arith.addf %dot_general3A_6, %add3A : vector<128x6400xf32>
    %get3A_11 = arith.constant 0 : index
    %get3A_12 = arith.constant 0 : index
    %get3A_13 = vector.load %arg4[%get3A_11, %get3A_12] : memref<128x1xf32, #tpu.memory_space<vmem>>, vector<128x1xf32>
    %ge3A = arith.constant 0.000000e+00 : f32
    %ge3A_14 = vector.broadcast %ge3A : f32 to vector<128x1xf32>
    %ge3A_15 = arith.cmpf oge, %get3A_13, %ge3A_14 : vector<128x1xf32>
    %mul3A = arith.constant 2.000000e-01 : f32
    %mul3A_16 = vector.broadcast %mul3A : f32 to vector<128x6400xf32>
    %mul3A_17 = arith.mulf %mul3A_16, %add3A_10 : vector<128x6400xf32>
    %max3A = arith.maximumf %add3A_10, %mul3A_17 : vector<128x6400xf32>
    %mul3A_18 = arith.constant 2.000000e-01 : f32
    %mul3A_19 = vector.broadcast %mul3A_18 : f32 to vector<128x6400xf32>
    %mul3A_20 = arith.mulf %mul3A_19, %add3A_10 : vector<128x6400xf32>
    %min3A = arith.minimumf %add3A_10, %mul3A_20 : vector<128x6400xf32>
    %broadcast_in_dim3A = vector.shape_cast %ge3A_15 : vector<128x1xi1> to vector<128x1xi1>
    %broadcast_in_dim3A_21 = vector.broadcast %broadcast_in_dim3A : vector<128x1xi1> to vector<128x6400xi1>
    %select_n3A = arith.select %broadcast_in_dim3A_21, %max3A, %min3A : vector<128x6400xi1>, vector<128x6400xf32>
    %reduce_sum3A = arith.constant dense<0.000000e+00> : vector<6400xf32>
    %reduce_sum3A_22 = vector.multi_reduction <add>, %select_n3A, %reduce_sum3A [0] : vector<128x6400xf32> to vector<6400xf32>
    %reshape3A = vector.shape_cast %reduce_sum3A_22 : vector<6400xf32> to vector<1x1x6400xf32>
    %swap3A = arith.constant 0 : index
    %swap3A_23 = arith.constant 0 : index
    %swap3A_24 = arith.constant 0 : index
    %swap3A_25 = vector.load %arg5[%swap3A, %swap3A_23, %swap3A_24] : memref<1x1x6400xf32, #tpu.memory_space<vmem>>, vector<1x1x6400xf32>
    tpu.vector_store %arg5[%swap3A, %swap3A_23, %swap3A_24], %reshape3A {strides = array<i32>} : memref<1x1x6400xf32, #tpu.memory_space<vmem>>, vector<1x1x6400xf32>,
    %reduce_max3A = vector.shape_cast %reduce_sum3A_22 : vector<6400xf32> to vector<1x6400xf32>
    %reduce_max3A_26 = arith.constant dense<0xFF800000> : vector<1xf32>
    %reduce_max3A_27 = vector.multi_reduction <maximumf>, %reduce_max3A, %reduce_max3A_26 [1] : vector<1x6400xf32> to vector<1xf32>
    %reduce_max3A_28 = vector.shape_cast %reduce_max3A_27 : vector<1xf32> to vector<1x1xf32>
    %reduce_max3A_29 = vector.extract %reduce_max3A_28[0, 0] : f32 from vector<1x1xf32>
    %reshape3A_30 = vector.broadcast %reduce_max3A_29 : f32 to vector<1x1x1xf32>
    %swap3A_31 = arith.constant 0 : index
    %swap3A_32 = arith.constant 0 : index
    %swap3A_33 = arith.constant 0 : index
    %swap3A_34 = vector.load %arg6[%swap3A_31, %swap3A_32, %swap3A_33] : memref<1x1x1xf32, #tpu.memory_space<vmem>>, vector<1x1x1xf32>
    tpu.vector_store %arg6[%swap3A_31, %swap3A_32, %swap3A_33], %reshape3A_30 {strides = array<i32>} : memref<1x1x1xf32, #tpu.memory_space<vmem>>, vector<1x1x1xf32>,
    return
  }
  func.func @transform_0(%arg0: i32) -> (i32, i32) {
    %c0_i32 = arith.constant 0 : i32
    %c0_i32_0 = arith.constant 0 : i32
    return %arg0, %c0_i32 : i32, i32
  }
  func.func @transform_1(%arg0: i32) -> (i32, i32) {
    %c0_i32 = arith.constant 0 : i32
    %c0_i32_0 = arith.constant 0 : i32
    %c0_i32_1 = arith.constant 0 : i32
    return %c0_i32, %c0_i32_0 : i32, i32
  }
  func.func @transform_2(%arg0: i32) -> (i32, i32) {
    %c0_i32 = arith.constant 0 : i32
    %c0_i32_0 = arith.constant 0 : i32
    %c0_i32_1 = arith.constant 0 : i32
    return %c0_i32, %c0_i32_0 : i32, i32
  }
  func.func @transform_3(%arg0: i32) -> (i32, i32) {
    %c0_i32 = arith.constant 0 : i32
    %c0_i32_0 = arith.constant 0 : i32
    %c0_i32_1 = arith.constant 0 : i32
    return %c0_i32, %c0_i32_0 : i32, i32
  }
  func.func @transform_4(%arg0: i32) -> (i32, i32, i32) {
    %c0_i32 = arith.constant 0 : i32
    %c0_i32_0 = arith.constant 0 : i32
    %c0_i32_1 = arith.constant 0 : i32
    return %arg0, %c0_i32, %c0_i32_0 : i32, i32, i32
  }
  func.func @transform_5(%arg0: i32) -> (i32, i32, i32) {
    %c0_i32 = arith.constant 0 : i32
    %c0_i32_0 = arith.constant 0 : i32
    %c0_i32_1 = arith.constant 0 : i32
    return %arg0, %c0_i32, %c0_i32_0 : i32, i32, i32
  }
}

module attributes {stable_mosaic.version = 14 : i64} {
  func.func @_rden_body(%arg0: memref<32x10000xf32, #tpu.memory_space<vmem>>, %arg1: memref<10000xf32, #tpu.memory_space<vmem>>) attributes {dimension_semantics = [], scalar_prefetch = 0 : i64, scratch_operands = 0 : i64, tpu.core_type = #tpu.core_type<tc>} {
    %get3A = arith.constant 0 : index
    %get3A_0 = arith.constant 0 : index
    %get3A_1 = vector.load %arg0[%get3A, %get3A_0] : memref<32x10000xf32, #tpu.memory_space<vmem>>, vector<32x10000xf32>
    %reduce_sum3A = arith.constant dense<0.000000e+00> : vector<10000xf32>
    %reduce_sum3A_2 = vector.multi_reduction <add>, %get3A_1, %reduce_sum3A [0] : vector<32x10000xf32> to vector<10000xf32>
    %div3A = arith.constant 1.000000e+00 : f32
    %div3A_3 = vector.broadcast %div3A : f32 to vector<10000xf32>
    %div3A_4 = arith.divf %div3A_3, %reduce_sum3A_2 : vector<10000xf32>
    %swap3A = arith.constant 0 : index
    %swap3A_5 = vector.load %arg1[%swap3A] : memref<10000xf32, #tpu.memory_space<vmem>>, vector<10000xf32>
    tpu.vector_store %arg1[%swap3A], %div3A_4 {strides = array<i32>} : memref<10000xf32, #tpu.memory_space<vmem>>, vector<10000xf32>,
    return
  }
}

module attributes {stable_mosaic.version = 14 : i64} {
  func.func @_fin_body(%arg0: memref<128x10000xf32, #tpu.memory_space<vmem>>, %arg1: memref<10000xf32, #tpu.memory_space<vmem>>, %arg2: memref<10000x128xf32, #tpu.memory_space<vmem>>) attributes {dimension_semantics = [], scalar_prefetch = 0 : i64, scratch_operands = 0 : i64, tpu.core_type = #tpu.core_type<tc>} {
    %get3A = arith.constant 0 : index
    %get3A_0 = arith.constant 0 : index
    %get3A_1 = vector.load %arg0[%get3A, %get3A_0] : memref<128x10000xf32, #tpu.memory_space<vmem>>, vector<128x10000xf32>
    %get3A_2 = arith.constant 0 : index
    %get3A_3 = vector.load %arg1[%get3A_2] : memref<10000xf32, #tpu.memory_space<vmem>>, vector<10000xf32>
    %reshape3A = vector.shape_cast %get3A_3 : vector<10000xf32> to vector<1x10000xf32>
    %mul3A = vector.broadcast %reshape3A : vector<1x10000xf32> to vector<128x10000xf32>
    %mul3A_4 = arith.mulf %get3A_1, %mul3A : vector<128x10000xf32>
    %transpose3A = tpu.transpose %mul3A_4, [1, 0] : vector<128x10000xf32> -> vector<10000x128xf32>
    %mul3A_5 = arith.constant 2.000000e-01 : f32
    %mul3A_6 = vector.broadcast %mul3A_5 : f32 to vector<10000x128xf32>
    %mul3A_7 = arith.mulf %mul3A_6, %transpose3A : vector<10000x128xf32>
    %max3A = arith.maximumf %transpose3A, %mul3A_7 : vector<10000x128xf32>
    %swap3A = arith.constant 0 : index
    %swap3A_8 = arith.constant 0 : index
    %swap3A_9 = vector.load %arg2[%swap3A, %swap3A_8] : memref<10000x128xf32, #tpu.memory_space<vmem>>, vector<10000x128xf32>
    tpu.vector_store %arg2[%swap3A, %swap3A_8], %max3A {strides = array<i32>} : memref<10000x128xf32, #tpu.memory_space<vmem>>, vector<10000x128xf32>,
    return
  }
}

</mosaic_0001>

<sc_bundles>
// kernel: kernel.11.cloned.1.call-start
scs
__scs_entry_jumppad:
0x0: {  	(pc) =	sbr.rel $0x88, $3  }
0x1: {  	(tag) =	ssettag $0x0;
	lr =	simm.s32 $0x1  }
0x2: {  	[smem:$0x3F99] =	sst lr;
	_ =	strace $0xD0000000  }
0x3: {  	_ = 	snop  }
0x4: {  	_ = 	snop  }
0x5: {  	_ = 	snop  }
0x6: {  	_ = 	snop  }
0x7: {  	_ = 	snop  }
__scs_overlays_trampoline_lowered:
0x8: {  	[smem:$0x3FA8] =	sst s0  }
0x9: {  	[smem:$0x3FA9] =	sst s1  }
0xa: {  	[smem:$0x3FAA] =	sst s2  }
0xb: {  	[smem:$0x3FAB] =	sst s3  }
0xc: {  	[smem:$0x3FAC] =	sst s4  }
0xd: {  	[smem:$0x3FAD] =	sst s5  }
0xe: {  	[smem:$0x3FAE] =	sst s6  }
0xf: {  	[smem:$0x3FAF] =	sst s7  }
0x10: {  	[smem:$0x3FB0] =	sst s8  }
0x11: {  	[smem:$0x3FB1] =	sst s9;
	s0 =	simm.s32 @!p0 $0x0  }
0x12: {  	s1 =	sld [smem:$0x3F97];
	s0 =	simm.s32 @p0 $0x1  }
0x13: {  	[smem:$0x3FB2] =	sst s0;
	s0 =	simm.s32 @!p1 $0x0  }
0x14: {  	s2 =	sld [smem:$0x3F96];
	s0 =	simm.s32 @p1 $0x1  }
0x15: {  	[smem:$0x3FB3] =	sst s0;
	s0 =	simm.s32 @!p2 $0x0  }
0x16: {  	s3 =	sld [smem:$0x3FDB];
	s0 =	simm.s32 @p2 $0x1  }
0x17: {  	s4 =	simm.s32 $0x1BF5;
	[smem:$0x3FB5] =	sst s0  }
0x18: {  	s0 =	sld [smem:$0x3F98];
	_ =	swait.ge [sflag:s4], $0x0  }
0x19: {  	s7 =	sld [smem:$0x3F99]  }
0x1a: {  	s8 =	sadd.s32 $0xFFFFE003, lr  }
0x1b: {  	s9 =	sadd.s32 $0xFFFFFEF7, lr;
	s5 =	simm.s32 $0xFFFFFFFF;
	p2 =	slt.u32 s8, $0xFFFFF086  }
0x1c: {  	p1 =	slt.u32 s9, $0xF7A;
	s5 =	simm.s32 @!p2 $0x0  }
0x1d: {  	s5 =	simm.s32 @p1 $0x1;
	p0 =	seq.s32 s7, s2  }
0x1e: {  	s7 =	smul.u32 @!p0 $0xF7A, s2;
	p2 =	seq.s32 @!p0 s5, $0x0  }
0x1f: {  	s9 =	smul.u32 $0xF7A, s1;
	s8 =	simm.s32 @!p0 $0x1BF5;
	p2 =	por !p2, p0  }
0x20: {  	[sflag:s8] =	ssyncset.s32 @!p0 $0xFFFFF086;
	s6 =	sadd.s32 @!p0 s3, s7;
	s7 =	simm.s32 @!p0 $0x108  }
0x21: {  	s3 =	sadd.s32 s3, s9;
	s6 =	sadd.s32 @!p0 $0x88, s6;
	s7 =	simm.s32 @p2 $0x1082  }
0x22: {  	[simem:s7], [sflag:s8] =	dma.local @!p0 [hbm:s6], $0xF7A  }
0x23: {  	s9 =	sor.u32 $0xD0000000, s2;
	s6 =	simm.s32 $0x108;
	_ =	swait.ge @!p0 [sflag:s8], $0x0  }
0x24: {  	s3 =	sadd.s32 $0x88, s3;
	s6 =	simm.s32 @!p1 $0x1082;
	[sflag:s4] =	ssyncset.s32 $0xFFFFF086  }
0x25: {  	[simem:s6], [sflag:s4] =	dma.local [hbm:s3], $0xF7A  }
0x26: {  	[smem:$0x3F99] =	sst s1;
	(tag) =	ssettag s2;
	_ =	strace s9  }
0x27: {  	s1 =	sld [smem:$0x3FA9]  }
0x28: {  	s2 =	sld [smem:$0x3FAA]  }
0x29: {  	s4 =	sld [smem:$0x3FAC]  }
0x2a: {  	p0 =	seq.s32 s5, $0x0;
	s5 =	sld [smem:$0x3FAD]  }
0x2b: {  	s6 =	sld [smem:$0x3FAE]  }
0x2c: {  	s7 =	sld [smem:$0x3FAF]  }
0x2d: {  	s3 =	simm.s32 $0x108;
	s8 =	sld [smem:$0x3FB0]  }
0x2e: {  	s3 =	simm.s32 @!p0 $0x1082;
	s9 =	sld [smem:$0x3FB1]  }
0x2f: {  	lr =	sadd.s32 s0, s3;
	s0 =	sld [smem:$0x3FA8]  }
0x30: {  	s3 =	sld [smem:$0x3FAB]  }
0x31: {  	[smem:$0x3FB4] =	sst s10  }
0x32: {  	s10 =	sld [smem:$0x3FB2];
	_ =	sdelay $0x3  }
0x33: {  	p0 =	seq.s32 s10, $0x1;
	s10 =	sld [smem:$0x3FB4];
	_ =	sdelay $0x3  }
0x34: {  	[smem:$0x3FB4] =	sst s10  }
0x35: {  	s10 =	sld [smem:$0x3FB3];
	_ =	sdelay $0x3  }
0x36: {  	p1 =	seq.s32 s10, $0x1;
	s10 =	sld [smem:$0x3FB4];
	_ =	sdelay $0x3  }
0x37: {  	[smem:$0x3FB4] =	sst s10  }
0x38: {  	s10 =	sld [smem:$0x3FB5]  }
0x39: {  	_ = 	snop;
	(pc) =	sbr.ind lr, $3  }
0x3a: {  	_ = 	snop  }
0x3b: {  	_ = 	snop  }
0x3c: {  	p2 =	seq.s32 s10, $0x1;
	s10 =	sld [smem:$0x3FB4]  }
0x3d: {  	_ =	shalt  }
0x3e: {  	_ =	shalt  }
0x3f: {  	_ =	shalt  }
0x40: {  	_ =	shalt  }
0x41: {  	_ =	shalt  }
0x42: {  	_ =	shalt  }
0x43: {  	_ =	shalt  }
0x44: {  	_ =	shalt  }
0x45: {  	_ =	shalt  }
0x46: {  	_ =	shalt  }
0x47: {  	_ =	shalt  }
0x48: {  	_ =	shalt  }
0x49: {  	_ =	shalt  }
0x4a: {  	_ =	shalt  }
0x4b: {  	_ =	shalt  }
0x4c: {  	_ =	shalt  }
0x4d: {  	_ =	shalt  }
0x4e: {  	_ =	shalt  }
0x4f: {  	_ =	shalt  }
0x50: {  	_ =	shalt  }
0x51: {  	_ =	shalt  }
0x52: {  	_ =	shalt  }
0x53: {  	_ =	shalt  }
0x54: {  	_ =	shalt  }
0x55: {  	_ =	shalt  }
0x56: {  	_ =	shalt  }
0x57: {  	_ =	shalt  }
0x58: {  	_ =	shalt  }
0x59: {  	_ =	shalt  }
0x5a: {  	_ =	shalt  }
0x5b: {  	_ =	shalt  }
0x5c: {  	_ =	shalt  }
0x5d: {  	_ =	shalt  }
0x5e: {  	_ =	shalt  }
0x5f: {  	_ =	shalt  }
0x60: {  	_ =	shalt  }
0x61: {  	_ =	shalt  }
0x62: {  	_ =	shalt  }
0x63: {  	_ =	shalt  }
0x64: {  	_ =	shalt  }
0x65: {  	_ =	shalt  }
0x66: {  	_ =	shalt  }
0x67: {  	_ =	shalt  }
0x68: {  	_ =	shalt  }
0x69: {  	_ =	shalt  }
0x6a: {  	_ =	shalt  }
0x6b: {  	_ =	shalt  }
0x6c: {  	_ =	shalt  }
0x6d: {  	_ =	shalt  }
0x6e: {  	_ =	shalt  }
0x6f: {  	_ =	shalt  }
0x70: {  	_ =	shalt  }
0x71: {  	_ =	shalt  }
0x72: {  	_ =	shalt  }
0x73: {  	_ =	shalt  }
0x74: {  	_ =	shalt  }
0x75: {  	_ =	shalt  }
0x76: {  	_ =	shalt  }
0x77: {  	_ =	shalt  }
0x78: {  	_ =	shalt  }
0x79: {  	_ =	shalt  }
0x7a: {  	_ =	shalt  }
0x7b: {  	_ =	shalt  }
0x7c: {  	_ =	shalt  }
0x7d: {  	_ =	shalt  }
0x7e: {  	_ =	shalt  }
0x7f: {  	_ =	shalt  }
0x80: {  	_ =	shalt  }
0x81: {  	_ =	shalt  }
0x82: {  	_ =	shalt  }
0x83: {  	_ =	shalt  }
0x84: {  	_ =	shalt  }
0x85: {  	_ =	shalt  }
0x86: {  	_ =	shalt  }
0x87: {  	_ =	shalt  }
.Lfunc_end0:
.L_simem_size_0:
called_computation.1_lowered:
.L_overlay_start_0:
0x88: {  	s2 =	sld [smem:$0x3FD9]  }
0x89: {  	s3 =	sld [smem:$0x3FFE];
	_ =	sdelay $0x1  }
0x8a: {  	s1 =	srdreg.scid  }
0x8b: {  	s0 =	sand.u32 $0x1, s1  }
0x8c: {  	s17 =	sshll.u32 s0, $0xA;
	s2 =	sadd.s32 s3, s2  }
0x8d: {  	s2 =	sadd.s32 s2, s17  }
0x8e: {  	[smem:$0x3FC0] =	sst s2  }
0x8f: {  	_ = 	snop  }
0x90: {  	s2 =	sld [smem:$0x3FD0];
	(tm) =	ssettm $0x1  }
0x91: {  	s18 =	sld [smem:$0x3FFB];
	_ =	sdelay $0x3  }
0x92: {  	_ =	strace s18  }
0x93: {  	s3 =	sld [smem:$0x3FFC];
	_ =	sdelay $0x3  }
0x94: {  	_ =	strace s3  }
0x95: {  	s3 =	sld [smem:$0x3FFD];
	_ =	sdelay $0x3  }
0x96: {  	_ =	strace s3  }
0x97: {  	_ =	strace $0x8FFFFFFF  }
0x98: {  	s19 =	sld [smem:$0x3FDB];
	_ =	sdelay $0x1  }
0x99: {  	s4 =	simm.s32 $_scs_section_size  }
0x9a: {  	s5 =	simm.s32 $_size__tile_overlayer_lowered;
	s6 =	simm.s32 $_tile_overlayer_lowered  }
0x9b: {  	s22 =	simm.s32 $0x1BFF;
	s21 =	sshll.u32 s6, $0x1;
	s3 =	sadd.s32 s4, s19  }
0x9c: {  	s7 =	simm.s32 $0x0;
	s20 =	sshll.u32 s5, $0x1;
	s5 =	sadd.s32 s21, s3  }
0x9d: {  	[timem:s7], [sflag:s22] =	dma.local [hbm:s5], s20  }
0x9e: {  	_ =	swait.ge [sflag:s22], s20  }
0x9f: {  	s4 =	ssub.s32 $0x0, s20;
	[sflag:s22] =	ssyncset.done $0x0  }
0xa0: {  	[sflag:s22] =	ssyncadd.s32 s4;
	_ =	sdelay $0x1  }
0xa1: {  	s23 =	simm.s32 $0x1B8B  }
0xa2: {  	_ =	swait.ge [sflag:s23], $0x1  }
0xa3: {  	[sflag:s23] =	ssyncset.done $0x0  }
0xa4: {  	s25 =	simm.s32 $0x1B8E;
	s24 =	sld [smem:$0x3FFE];
	[sflag:s23] =	ssyncadd.s32 $0xFFFFFFFF  }
0xa5: {  	s26 =	simm.s32 $execute0_lowered;
	[smem:$0x3FD2] =	sst s25  }
0xa6: {  	s5 =	sshll.u32 s26, $0x1;
	_ =	strace $0x80000049;
	[dreg:$0x1] =	wrdreg $0xFFFFFFFF  }
0xa7: {  	s28 =	simm.s32 $_size_execute0_lowered;
	s3 =	sadd.s32 s3, s5;
	[dreg:$0x0] =	wrdreg $0x0  }
0xa8: {  	s5 =	sshll.u32 s28, $0x1;
	[dreg:$0x2] =	wrdreg s3  }
0xa9: {  	[dreg:$0x3] =	wrdreg s5  }
0xaa: {  	[dreg:$0x4] =	wrdreg $0xC0  }
0xab: {  	_ =	task [dreg:s7], $0x5FFFF  }
0xac: {  	[dreg:$0x1] =	wrdreg $0xFFFFFFFF  }
0xad: {  	[dreg:$0x0] =	wrdreg $0x60  }
0xae: {  	[dreg:$0x2] =	wrdreg s24  }
0xaf: {  	[dreg:$0x3] =	wrdreg s2  }
0xb0: {  	[dreg:$0x4] =	wrdreg $0x9  }
0xb1: {  	_ =	task.clear_ibuf [dreg:s7], $0x5FFFF;
	_ =	strace $0x90000049  }
0xb2: {  	s29 =	simm.s32 $0x9;
	_ =	strace $0x8000004B  }
0xb3: {  	_ =	swait.ge [sflag:s29], $0x1  }
0xb4: {  	[sflag:s29] =	ssyncadd.s32 $0xFFFFFFFF  }
0xb5: {  	_ =	strace $0x9000004B  }
0xb6: {  	_ =	sfence  }
0xb7: {  	s30 =	sld [smem:$0x0];
	_ =	sdelay $0x2  }
0xb8: {  	s31 =	sshll.u32 s1, $0xD;
	s1 =	sshrl.u32 s1, $0x2  }
0xb9: {  	s3 =	sand.u32 $0x4000, s31;
	s1 =	sadd.s32 s1, s30  }
0xba: {  	s0 =	sor.u32 s3, s0;
	s1 =	sshll.u32 s1, $0x11  }
0xbb: {  	s0 =	sor.u32 s1, s0  }
0xbc: {  	s0 =	sadd.s32 $0x8F2B, s0  }
0xbd: {  	[sflag:s0] =	ssyncadd.remote.s32 $0x1  }
0xbe: {  	_ =	sfence.sel $0xFFFF  }
0xbf: {  	[dreg:$0x0] =	wrdreg $0xFFFFFFFF;
	(pc) =	sbr.abs _section_cstart, $3  }
0xc0: {  	[dreg:$0x1] =	wrdreg $0xFFFFFFFF  }
0xc1: {  	_ =	task.clear_ibuf [dreg:s7], $0x2FFFF;
	_ =	strace $0x9FFFFFFF  }
0xc2: {  	(tm) =	ssettm $0x7FFFFFFF  }
0xc3: {  	_ =	shalt  }
tec
execute0_lowered:
.L_overlay_start_1:
0x0: {  	(tag) =	ssettag $0x1  }
0x1: {  	s1 =	srdreg.scid  }
0x2: {  	s0 =	stileid.u32;
	s4 =	rddreg [dreg:$0x0]  }
0x3: {  	s6 =	rddreg [dreg:$0x1];
	s2 =	simm.s32 $0x0;
	s11 =	simm.s32 $0x13A00  }
0x4: {  	s12 =	simm.s32 $0x15980;
	s13 =	simm.s32 $0x17900;
	s14 =	simm.s32 $0x19880  }
0x5: {  	s15 =	simm.s32 $0x1;
	s16 =	simm.s32 $0x4F00;
	s17 =	simm.s32 $0x9D80  }
0x6: {  	s18 =	simm.s32 $0x2;
	s19 =	simm.s32 $0x0;
	s3 =	sand.u32 $0x1, s1  }
0x7: {  	s29 =	sshll.u32 s0, $0x1;
	s30 =	sshrl.u32 s0, $0x1;
	s1 =	rddreg [dreg:$0x2]  }
0x8: {  	[smem:$0x7FF] =	sst s2;
	s5 =	sor.u32 s3, s29;
	s7 =	smul.u32 $0x13C00, s30  }
0x9: {  	_ =	strace $0x8000004A;
	s31 =	ssub.s32 $0x2, s3;
	s8 =	sshll.u32 s5, $0x8  }
0xa: {  	s9 =	sshrl.u32 s31, $0x1;
	s10 =	smul.u32 $0x1388, s5;
	s8 =	sand.u32 $0x300, s8  }
0xb: {  	s3 =	sadd.s32 $0x29E00, s4;
	s7 =	sor.u32 s7, s8;
	s8 =	ssub.s32 s31, s9  }
0xc: {  	s6 =	sadd.s32 s6, s10;
	s9 =	simm.s32 $0x400;
	s7 =	sshrl.u32 s7, $0x3  }
0xd: {  	s10 =	simm.s32 $0x3;
	s7 =	sadd.s32 s7, s4;
	s4 =	sadd.s32 $0x1800, s4  }
0xe: {  	v10 =	vimm.f32 $0.0e+00;
	s5 =	sadd.s32 $0xB600, s7;
	s7 =	smax.u32 s8, $0x1;
	s8 =	simm.s32 $0x100  }
.LBB2_1:
0xf: {  	[tilespmem:s2], [sflag:$0x3] =	stream.strided.gather [hbm4b:s5+s8], $0x4F00, s9, s8, $0x38;
	[tilespmem:$0x1B800] =	vst v63  }
0x10: {  	_ =	swait.ge [sflag:s10], $0x4F00  }
0x11: {  	[sflag:s10] =	ssyncset.done $0x0  }
0x12: {  	s22 =	simm.s32 $0x80;
	[sflag:s10] =	ssyncadd.s32 $0xFFFFB100  }
0x13: {  	v0 =	vld [tilespmem:s22+$0xFFFFFFF0]  }
0x14: {  	v1 =	vld [tilespmem:s22+$0xFFFFFF90]  }
0x15: {  	v2 =	vld [tilespmem:s22+$0xFFFFFFA0]  }
0x16: {  	v3 =	vld [tilespmem:s22+$0xFFFFFFB0]  }
0x17: {  	s20 =	simm.s32 $0x7680;
	v4 =	vld [tilespmem:s22+$0xFFFFFFC0]  }
0x18: {  	v5 =	vld [tilespmem:s22+$0xFFFFFFD0];
	[tilespmem:s20+$0xFFFFD8F0] =	vst v0  }
0x19: {  	v6 =	vld [tilespmem:s22+$0xFFFFFF80];
	[tilespmem:s20+$0xFFFFD890] =	vst v1  }
0x1a: {  	[tilespmem:s20+$0xFFFFD8A0] =	vst v2;
	v1 =	vld [tilespmem:s22+$0x70]  }
0x1b: {  	v2 =	vld [tilespmem:s22+$0xFFFFFFE0];
	[tilespmem:s20+$0xFFFFD8B0] =	vst v3  }
0x1c: {  	[tilespmem:s20+$0xFFFFD8C0] =	vst v4;
	v7 =	vld [tilespmem:s22+$0x10]  }
0x1d: {  	[tilespmem:s20+$0xFFFFD8D0] =	vst v5;
	v4 =	vld [tilespmem:s22+$0x20]  }
0x1e: {  	[tilespmem:s20+$0xFFFFD880] =	vst v6;
	v0 =	vld [tilespmem:s22+$0x30]  }
0x1f: {  	[tilespmem:s20+$0x0] =	vst v1;
	v1 =	vld [tilespmem:s22+$0x40]  }
0x20: {  	v3 =	vld [tilespmem:s22+$0x50];
	[tilespmem:s20+$0xFFFFD8E0] =	vst v2  }
0x21: {  	v2 =	vld [tilespmem:s22+$0x0];
	[tilespmem:s20+$0xFFFFFFA0] =	vst v7  }
0x22: {  	s21 =	simm.s32 $0x0;
	[tilespmem:s20+$0xFFFFFFB0] =	vst v4;
	v4 =	vld [tilespmem:s22+$0x60];
	s22 =	simm.s32 $0x180  }
.LBB2_2:
0x23: {  	v5 =	vld [tilespmem:s22+$0xFFFFFFF0];
	s21 =	sadd.s32 $0x8, s21;
	[tilespmem:s20+$0xFFFFFFC0] =	vst v0  }
0x24: {  	v0 =	vld [tilespmem:s22+$0xFFFFFF90];
	p0 =	slt.u32 s21, $0x268;
	[tilespmem:s20+$0xFFFFFFD0] =	vst v1  }
0x25: {  	v1 =	vld [tilespmem:s22+$0xFFFFFFA0];
	[tilespmem:s20+$0xFFFFFFE0] =	vst v3  }
0x26: {  	v3 =	vld [tilespmem:s22+$0xFFFFFFB0];
	[tilespmem:s20+$0xFFFFFF90] =	vst v2  }
0x27: {  	v2 =	vld [tilespmem:s22+$0xFFFFFFC0];
	[tilespmem:s20+$0xFFFFFFF0] =	vst v4;
	s20 =	sadd.s32 $0x80, s20  }
0x28: {  	v4 =	vld [tilespmem:s22+$0xFFFFFFD0];
	[tilespmem:s20+$0xFFFFD8F0] =	vst v5  }
0x29: {  	[tilespmem:s20+$0xFFFFD890] =	vst v0;
	v5 =	vld [tilespmem:s22+$0x70]  }
0x2a: {  	[tilespmem:s20+$0xFFFFD8A0] =	vst v1;
	v6 =	vld [tilespmem:s22+$0xFFFFFFE0]  }
0x2b: {  	v7 =	vld [tilespmem:s22+$0xFFFFFF80];
	[tilespmem:s20+$0xFFFFD8B0] =	vst v3  }
0x2c: {  	v8 =	vld [tilespmem:s22+$0x10];
	[tilespmem:s20+$0xFFFFD8C0] =	vst v2  }
0x2d: {  	v9 =	vld [tilespmem:s22+$0x20];
	[tilespmem:s20+$0xFFFFD8D0] =	vst v4  }
.Ltmp0:
0x2e: {  	v0 =	vld [tilespmem:s22+$0x30];
	[tilespmem:s20+$0x0] =	vst v5;
	(pc) =	sbr.rel @p0 .LBB2_2-.Ltmp0, $4  }
0x2f: {  	v1 =	vld [tilespmem:s22+$0x40];
	[tilespmem:s20+$0xFFFFD8E0] =	vst v6  }
0x30: {  	[tilespmem:s20+$0xFFFFD880] =	vst v7;
	v3 =	vld [tilespmem:s22+$0x50]  }
0x31: {  	v2 =	vld [tilespmem:s22+$0x0];
	[tilespmem:s20+$0xFFFFFFA0] =	vst v8  }
0x32: {  	[tilespmem:s20+$0xFFFFFFB0] =	vst v9;
	v4 =	vld [tilespmem:s22+$0x60];
	s22 =	sadd.s32 $0x100, s22  }
0x33: {  	[tilespmem:s20+$0xFFFFFFC0] =	vst v0  }
0x34: {  	[tilespmem:s20+$0xFFFFFFD0] =	vst v1  }
0x35: {  	[tilespmem:s20+$0xFFFFFFE0] =	vst v3  }
0x36: {  	[tilespmem:s20+$0xFFFFFF90] =	vst v2  }
0x37: {  	[tilespmem:s20+$0xFFFFFFF0] =	vst v4  }
0x38: {  	v0 =	vld [tilespmem:$0x4E00]  }
0x39: {  	v1 =	vld [tilespmem:$0x4E80];
	_ =	sdelay $0x3  }
0x3a: {  	[tilespmem:$0x7600] =	vst v0  }
0x3b: {  	s20 =	simm.s32 $0x9DC0;
	[tilespmem:$0x9D10] =	vst v1  }
0x3c: {  	[tilespmem:s20+$0xFFFFFFC0] =	vst v10  }
0x3d: {  	[tilespmem:s20+$0x30] =	vst v10  }
0x3e: {  	[tilespmem:s20+$0x20] =	vst v10  }
0x3f: {  	[tilespmem:s20+$0x10] =	vst v10  }
0x40: {  	[tilespmem:s20+$0x0] =	vst v10  }
0x41: {  	[tilespmem:s20+$0xFFFFFFF0] =	vst v10  }
0x42: {  	s21 =	simm.s32 $0x0;
	[tilespmem:s20+$0xFFFFFFE0] =	vst v10  }
.LBB2_4:
0x43: {  	s21 =	sadd.s32 $0x8, s21;
	[tilespmem:s20+$0xFFFFFFD0] =	vst v10;
	s20 =	sadd.s32 $0x80, s20  }
0x44: {  	[tilespmem:s20+$0xFFFFFFC0] =	vst v10;
	p0 =	slt.u32 s21, $0x9B8  }
0x45: {  	[tilespmem:s20+$0x30] =	vst v10  }
.Ltmp1:
0x46: {  	[tilespmem:s20+$0x20] =	vst v10;
	(pc) =	sbr.rel @p0 .LBB2_4-.Ltmp1, $4  }
0x47: {  	[tilespmem:s20+$0x10] =	vst v10  }
0x48: {  	[tilespmem:s20+$0x0] =	vst v10  }
0x49: {  	[tilespmem:s20+$0xFFFFFFF0] =	vst v10  }
0x4a: {  	[tilespmem:s20+$0xFFFFFFE0] =	vst v10  }
0x4b: {  	[tilespmem:s20+$0xFFFFFFD0] =	vst v10;
	s20 =	simm.s32 $0x0  }
.LBB2_6:
0x4c: {  	p0 =	sne.s32 s20, $0xC0  }
.Ltmp2:
0x4d: {  	_ = 	snop;
	(pc) =	sbr.rel @p0 .LBB2_6-.Ltmp2, $3  }
0x4e: {  	_ =	sdelay $0x1  }
0x4f: {  	s21 =	sshra.s32 s20, $0x2  }
0x50: {  	s20 =	sadd.s32 $0x40, s20;
	[tilespmem:s21+$0x13980] =	vst v10  }
0x51: {  	s20 =	simm.s32 $0x0  }
0x52: {  	[tilespmem:s11], [sflag:$0x1] =	stream.linear.gather [hbm4b:s4+s20], $0x1F40, $0x38;
	[tilespmem:$0x1B800] =	vst v63  }
0x53: {  	_ = 	snop  }
0x54: {  	[tilespmem:s12], [sflag:$0x1] =	stream.linear.gather [hbm4b:s3+s20], $0x1F40, $0x38;
	[tilespmem:$0x1B800] =	vst v63  }
.LBB2_8:
0x55: {  	s21 =	smul.u32 $0x3E80, s20;
	_ =	sdelay $0x1  }
0x56: {  	s22 =	sshrl.u32 s21, $0x3  }
0x57: {  	s22 =	sadd.s32 $0x3E8, s22  }
0x58: {  	s23 =	sadd.s32 s4, s22  }
0x59: {  	[tilespmem:s13], [sflag:$0x2] =	stream.linear.gather [hbm4b:s23+s2], $0x1F40, $0x38;
	[tilespmem:$0x1B800] =	vst v63  }
0x5a: {  	s22 =	sadd.s32 s3, s22  }
0x5b: {  	[tilespmem:s14], [sflag:$0x2] =	stream.linear.gather [hbm4b:s22+s2], $0x1F40, $0x38;
	[tilespmem:$0x1B800] =	vst v63  }
0x5c: {  	_ =	swait.ge [sflag:s15], $0x1F40  }
0x5d: {  	[sflag:s15] =	ssyncset.done $0x0  }
0x5e: {  	[sflag:s15] =	ssyncadd.s32 $0xFFFFE0C0  }
0x5f: {  	_ =	swait.ge [sflag:s15], $0x1F40  }
0x60: {  	[sflag:s15] =	ssyncset.done $0x0  }
0x61: {  	s31 =	simm.s32 $0x13A80;
	[sflag:s15] =	ssyncadd.s32 $0xFFFFE0C0  }
0x62: {  	v0 =	vld [tilespmem:s31+$0x70]  }
0x63: {  	v10 =	vld [tilespmem:s31+$0xFFFFFF90]  }
0x64: {  	v12 =	vld [tilespmem:s31+$0xFFFFFFA0]  }
0x65: {  	v13 =	vld [tilespmem:s31+$0xFFFFFFB0]  }
0x66: {  	v15 =	vld [tilespmem:s31+$0xFFFFFFC0]  }
0x67: {  	v17 =	vld [tilespmem:s31+$0xFFFFFFD0]  }
0x68: {  	v18 =	vld [tilespmem:s31+$0xFFFFFFE0]  }
0x69: {  	v29 =	vld [tilespmem:s31+$0xFFFFFFF0]  }
0x6a: {  	v31 =	vld [tilespmem:s31+$0x0]  }
0x6b: {  	v19 =	vld [tilespmem:s31+$0x10]  }
0x6c: {  	v14 =	vld [tilespmem:s31+$0xFFFFFF80]  }
0x6d: {  	s22 =	simm.s32 $0x15A00;
	v20 =	vld [tilespmem:s31+$0x20]  }
0x6e: {  	v3 =	vld [tilespmem:s22+$0x70]  }
0x6f: {  	v23 =	vld [tilespmem:s31+$0x30];
	v1 =	vand.u32 $0x3FFF, v0  }
0x70: {  	v25 =	vld [tilespmem:s31+$0x40];
	v24 =	vand.u32 $0x3FFF, v10  }
0x71: {  	v27 =	vld [tilespmem:s31+$0x50];
	v43 =	vand.u32 $0x3FFF, v14  }
0x72: {  	v22 =	vld [tilespmem:s31+$0x60];
	v21 =	vand.u32 $0x3FFF, v12  }
0x73: {  	v30 =	vld [tilespmem:s22+$0xFFFFFF80];
	v11 =	vand.u32 $0x3FFF, v13  }
0x74: {  	v9 =	vand.u32 $0x3FFF, v15;
	v2 =	vld.idx.msk [tilespmem:v1+s16+$0x0], $0xffff  }
0x75: {  	v8 =	vand.u32 $0x3FFF, v17;
	v32 =	vld.idx.msk [tilespmem:v24+s16+$0x0], $0xffff  }
0x76: {  	v26 =	vld.idx.msk [tilespmem:v43+s16+$0x0], $0xffff  }
0x77: {  	v7 =	vand.u32 $0x3FFF, v18;
	v33 =	vld.idx.msk [tilespmem:v21+s16+$0x0], $0xffff  }
0x78: {  	v6 =	vand.u32 $0x3FFF, v31;
	v34 =	vld.idx.msk [tilespmem:v11+s16+$0x0], $0xffff  }
0x79: {  	v4 =	vshrl.u32 v0, $0xE;
	v36 =	vld.idx.msk [tilespmem:v9+s16+$0x0], $0xffff  }
0x7a: {  	v0 =	vadd.s32 $0x2710, v4;
	v1 =	vadd.s32 $0x2710, v1;
	v37 =	vld.idx.msk [tilespmem:v8+s16+$0x0], $0xffff  }
0x7b: {  	v5 =	vshll.u32 v2, $0x10;
	v38 =	vshll.u32 v26, $0x10;
	v53 =	vand.u32 $0xFFFF0000, v26;
	v26 =	vld [tilespmem:s22+$0xFFFFFFA0]  }
0x7c: {  	v40 =	vshrl.u32 v12, $0xE;
	v44 =	vld.idx.msk [tilespmem:v7+s16+$0x0], $0xffff;
	v2 =	vand.u32 $0xFFFF0000, v2;
	v5 =	vmul.f32 v5, v3  }
0x7d: {  	v35 =	vadd.s32 $0x4E20, v4;
	v16 =	vadd.s32 $0x7530, v4;
	v46 =	vld.idx.msk [tilespmem:v6+s16+$0x0], $0xffff;
	v2 =	vmul.f32 v2, v3  }
0x7e: {  	v56 =	vadd.s32 $0x2710, v40;
	v57 =	vshll.u32 v33, $0x10;
	[tilespmem:v4+s17+$0x0] =	vst.idx.add.f32.msk $0xffff, v5;
	v5 =	vand.u32 $0x3FFF, v19  }
0x7f: {  	v58 =	vand.u32 $0xFFFF0000, v33;
	v4 =	vand.u32 $0x3FFF, v20;
	[tilespmem:v0+s17+$0x0] =	vst.idx.add.f32.msk $0xffff, v2;
	v0 =	vand.u32 $0x3FFF, v29  }
0x80: {  	v1 =	vld.idx.msk [tilespmem:v1+s16+$0x0], $0xffff;
	v59 =	vmul.f32 v57, v26;
	v60 =	vmul.f32 v58, v26;
	v57 =	vshll.u32 v37, $0x10  }
0x81: {  	v58 =	vand.u32 $0xFFFF0000, v37;
	v37 =	vshrl.u32 v31, $0xE;
	v31 =	vshrl.u32 v19, $0xE;
	v19 =	vld [tilespmem:s22+$0x20]  }
0x82: {  	v2 =	vand.u32 $0x3FFF, v25;
	[tilespmem:v40+s17+$0x0] =	vst.idx.add.f32.msk $0xffff, v59  }
0x83: {  	v21 =	vadd.s32 $0x2710, v21;
	v47 =	vld.idx.msk [tilespmem:v5+s16+$0x0], $0xffff  }
0x84: {  	v48 =	vld.idx.msk [tilespmem:v4+s16+$0x0], $0xffff  }
0x85: {  	[tilespmem:v56+s17+$0x0] =	vst.idx.add.f32.msk $0xffff, v60  }
0x86: {  	v45 =	vld.idx.msk [tilespmem:v0+s16+$0x0], $0xffff;
	v28 =	vshll.u32 v1, $0x10  }
0x87: {  	v50 =	vld.idx.msk [tilespmem:v2+s16+$0x0], $0xffff;
	v28 =	vmul.f32 v28, v3  }
0x88: {  	v42 =	vshrl.u32 v14, $0xE;
	v21 =	vld.idx.msk [tilespmem:v21+s16+$0x0], $0xffff;
	v1 =	vand.u32 $0xFFFF0000, v1  }
0x89: {  	v1 =	vmul.f32 v1, v3;
	[tilespmem:v35+s17+$0x0] =	vst.idx.add.f32.msk $0xffff, v28  }
0x8a: {  	v3 =	vand.u32 $0x3FFF, v23;
	v28 =	vld [tilespmem:s22+$0xFFFFFF90]  }
0x8b: {  	v14 =	vadd.s32 $0x2710, v42;
	v35 =	vmul.f32 v38, v30;
	[tilespmem:v16+s17+$0x0] =	vst.idx.add.f32.msk $0xffff, v1  }
0x8c: {  	v16 =	vld [tilespmem:s22+$0xFFFFFFB0]  }
0x8d: {  	v43 =	vadd.s32 $0x2710, v43;
	[tilespmem:v42+s17+$0x0] =	vst.idx.add.f32.msk $0xffff, v35  }
0x8e: {  	v41 =	vshrl.u32 v10, $0xE;
	v10 =	vmul.f32 v53, v30;
	v35 =	vshrl.u32 v17, $0xE;
	v17 =	vld [tilespmem:s22+$0xFFFFFFF0]  }
0x8f: {  	v1 =	vand.u32 $0x3FFF, v27;
	v49 =	vld.idx.msk [tilespmem:v3+s16+$0x0], $0xffff  }
0x90: {  	[tilespmem:v14+s17+$0x0] =	vst.idx.add.f32.msk $0xffff, v10  }
0x91: {  	v38 =	vadd.s32 $0x2710, v41;
	v14 =	vld [tilespmem:s22+$0xFFFFFFC0]  }
0x92: {  	v39 =	vshll.u32 v32, $0x10;
	v43 =	vld.idx.msk [tilespmem:v43+s16+$0x0], $0xffff  }
0x93: {  	v54 =	vand.u32 $0xFFFF0000, v32;
	v55 =	vmul.f32 v39, v28;
	v39 =	vshrl.u32 v13, $0xE;
	v13 =	vld [tilespmem:s22+$0xFFFFFFD0]  }
0x94: {  	v12 =	vmul.f32 v54, v28;
	v51 =	vld.idx.msk [tilespmem:v1+s16+$0x0], $0xffff  }
0x95: {  	v61 =	vshll.u32 v34, $0x10;
	v52 =	vadd.s32 $0x2710, v39;
	[tilespmem:v41+s17+$0x0] =	vst.idx.add.f32.msk $0xffff, v55  }
0x96: {  	v32 =	vmul.f32 v61, v16;
	[tilespmem:v38+s17+$0x0] =	vst.idx.add.f32.msk $0xffff, v12  }
0x97: {  	v62 =	vand.u32 $0xFFFF0000, v34;
	v12 =	vld [tilespmem:s22+$0xFFFFFFE0]  }
0x98: {  	v11 =	vadd.s32 $0x2710, v11;
	v38 =	vshrl.u32 v15, $0xE;
	v15 =	vmul.f32 v62, v16;
	[tilespmem:v39+s17+$0x0] =	vst.idx.add.f32.msk $0xffff, v32  }
0x99: {  	v32 =	vshrl.u32 v18, $0xE;
	v18 =	vld [tilespmem:s22+$0x0]  }
0x9a: {  	v63 =	vadd.s32 $0x2710, v38;
	v59 =	vmul.f32 v57, v13;
	[tilespmem:v52+s17+$0x0] =	vst.idx.add.f32.msk $0xffff, v15  }
0x9b: {  	v53 =	vshll.u32 v36, $0x10;
	v10 =	vand.u32 $0x3FFF, v22;
	v15 =	vld [tilespmem:s22+$0x10]  }
0x9c: {  	v54 =	vand.u32 $0xFFFF0000, v36;
	v55 =	vadd.s32 $0x2710, v35;
	v33 =	vmul.f32 v53, v14;
	[tilespmem:v35+s17+$0x0] =	vst.idx.add.f32.msk $0xffff, v59  }
0x9d: {  	v56 =	vmul.f32 v54, v14;
	v11 =	vld.idx.msk [tilespmem:v11+s16+$0x0], $0xffff  }
0x9e: {  	v9 =	vadd.s32 $0x2710, v9;
	[tilespmem:v38+s17+$0x0] =	vst.idx.add.f32.msk $0xffff, v33  }
0x9f: {  	v60 =	vshll.u32 v44, $0x10;
	v34 =	vadd.s32 $0x2710, v32;
	v33 =	vmul.f32 v58, v13;
	[tilespmem:v63+s17+$0x0] =	vst.idx.add.f32.msk $0xffff, v56  }
0xa0: {  	v59 =	vand.u32 $0xFFFF0000, v45;
	v61 =	vmul.f32 v60, v12;
	v56 =	vshll.u32 v45, $0x10;
	v45 =	vld.idx.msk [tilespmem:v10+s16+$0x0], $0xffff  }
0xa1: {  	[tilespmem:v55+s17+$0x0] =	vst.idx.add.f32.msk $0xffff, v33  }
0xa2: {  	v8 =	vadd.s32 $0x2710, v8;
	v62 =	vand.u32 $0xFFFF0000, v44;
	[tilespmem:v32+s17+$0x0] =	vst.idx.add.f32.msk $0xffff, v61  }
0xa3: {  	v36 =	vshrl.u32 v29, $0xE;
	v57 =	vmul.f32 v62, v12;
	v33 =	vshrl.u32 v23, $0xE;
	v23 =	vld [tilespmem:s22+$0x40]  }
0xa4: {  	v9 =	vld.idx.msk [tilespmem:v9+s16+$0x0], $0xffff  }
0xa5: {  	v7 =	vadd.s32 $0x2710, v7;
	[tilespmem:v34+s17+$0x0] =	vst.idx.add.f32.msk $0xffff, v57  }
0xa6: {  	v62 =	vshll.u32 v46, $0x10;
	v58 =	vmul.f32 v56, v17;
	v34 =	vshrl.u32 v25, $0xE;
	v25 =	vld [tilespmem:s22+$0x50]  }
0xa7: {  	v60 =	vadd.s32 $0x2710, v37;
	v29 =	vmul.f32 v62, v18;
	v8 =	vld.idx.msk [tilespmem:v8+s16+$0x0], $0xffff  }
0xa8: {  	[tilespmem:v36+s17+$0x0] =	vst.idx.add.f32.msk $0xffff, v58  }
0xa9: {  	v46 =	vand.u32 $0xFFFF0000, v46;
	v63 =	vadd.s32 $0x2710, v36;
	[tilespmem:v37+s17+$0x0] =	vst.idx.add.f32.msk $0xffff, v29  }
0xaa: {  	v54 =	vmul.f32 v46, v18;
	v55 =	vshll.u32 v47, $0x10;
	v29 =	vshrl.u32 v20, $0xE;
	v20 =	vld [tilespmem:s22+$0x30]  }
0xab: {  	v6 =	vadd.s32 $0x2710, v6;
	v46 =	vmul.f32 v55, v15;
	v7 =	vld.idx.msk [tilespmem:v7+s16+$0x0], $0xffff  }
0xac: {  	v0 =	vadd.s32 $0x2710, v0;
	[tilespmem:v60+s17+$0x0] =	vst.idx.add.f32.msk $0xffff, v54  }
0xad: {  	v61 =	vmul.f32 v59, v17;
	[tilespmem:v31+s17+$0x0] =	vst.idx.add.f32.msk $0xffff, v46  }
0xae: {  	v56 =	vadd.s32 $0x2710, v29;
	v54 =	vadd.s32 $0x2710, v24;
	v24 =	vld [tilespmem:s22+$0x60]  }
0xaf: {  	v47 =	vand.u32 $0xFFFF0000, v47;
	v58 =	vshll.u32 v48, $0x10;
	[tilespmem:v63+s17+$0x0] =	vst.idx.add.f32.msk $0xffff, v61  }
0xb0: {  	v59 =	vand.u32 $0xFFFF0000, v48;
	v46 =	vmul.f32 v58, v19;
	v63 =	vadd.s32 $0x2710, v31;
	v6 =	vld.idx.msk [tilespmem:v6+s16+$0x0], $0xffff  }
0xb1: {  	v57 =	vmul.f32 v47, v15;
	v47 =	vmul.f32 v59, v19;
	v0 =	vld.idx.msk [tilespmem:v0+s16+$0x0], $0xffff  }
0xb2: {  	v4 =	vadd.s32 $0x2710, v4;
	[tilespmem:v29+s17+$0x0] =	vst.idx.add.f32.msk $0xffff, v46  }
0xb3: {  	v5 =	vadd.s32 $0x2710, v5;
	v61 =	vshll.u32 v49, $0x10;
	[tilespmem:v56+s17+$0x0] =	vst.idx.add.f32.msk $0xffff, v47  }
0xb4: {  	v60 =	vadd.s32 $0x2710, v33;
	v46 =	vmul.f32 v61, v20;
	v44 =	vld.idx.msk [tilespmem:v54+s16+$0x0], $0xffff  }
0xb5: {  	[tilespmem:v63+s17+$0x0] =	vst.idx.add.f32.msk $0xffff, v57  }
0xb6: {  	v62 =	vand.u32 $0xFFFF0000, v49;
	v52 =	vadd.s32 $0x2710, v34;
	[tilespmem:v33+s17+$0x0] =	vst.idx.add.f32.msk $0xffff, v46  }
0xb7: {  	v3 =	vadd.s32 $0x2710, v3;
	v53 =	vshll.u32 v50, $0x10;
	v63 =	vmul.f32 v62, v20;
	v4 =	vld.idx.msk [tilespmem:v4+s16+$0x0], $0xffff  }
0xb8: {  	v27 =	vshrl.u32 v27, $0xE;
	v55 =	vand.u32 $0xFFFF0000, v50;
	v46 =	vmul.f32 v53, v23;
	v5 =	vld.idx.msk [tilespmem:v5+s16+$0x0], $0xffff  }
0xb9: {  	v2 =	vadd.s32 $0x2710, v2;
	v47 =	vmul.f32 v55, v23;
	[tilespmem:v60+s17+$0x0] =	vst.idx.add.f32.msk $0xffff, v63  }
0xba: {  	v56 =	vadd.s32 $0x2710, v27;
	v57 =	vshll.u32 v51, $0x10;
	[tilespmem:v34+s17+$0x0] =	vst.idx.add.f32.msk $0xffff, v46  }
0xbb: {  	v22 =	vshrl.u32 v22, $0xE;
	v46 =	vmul.f32 v57, v25;
	[tilespmem:v52+s17+$0x0] =	vst.idx.add.f32.msk $0xffff, v47  }
0xbc: {  	v59 =	vadd.s32 $0x2710, v22;
	v58 =	vand.u32 $0xFFFF0000, v51;
	v3 =	vld.idx.msk [tilespmem:v3+s16+$0x0], $0xffff  }
0xbd: {  	v1 =	vadd.s32 $0x2710, v1;
	v50 =	vmul.f32 v58, v25;
	v60 =	vshll.u32 v45, $0x10;
	[tilespmem:v27+s17+$0x0] =	vst.idx.add.f32.msk $0xffff, v46  }
0xbe: {  	v61 =	vadd.s32 $0x4E20, v42;
	v45 =	vand.u32 $0xFFFF0000, v45;
	v48 =	vmul.f32 v60, v24;
	v2 =	vld.idx.msk [tilespmem:v2+s16+$0x0], $0xffff  }
0xbf: {  	v42 =	vadd.s32 $0x7530, v42;
	v45 =	vmul.f32 v45, v24;
	[tilespmem:v56+s17+$0x0] =	vst.idx.add.f32.msk $0xffff, v50  }
0xc0: {  	v58 =	vadd.s32 $0x7530, v38;
	v62 =	vshll.u32 v43, $0x10;
	v63 =	vadd.s32 $0x4E20, v41;
	[tilespmem:v22+s17+$0x0] =	vst.idx.add.f32.msk $0xffff, v48  }
0xc1: {  	v54 =	vadd.s32 $0x4E20, v39;
	v43 =	vand.u32 $0xFFFF0000, v43;
	v48 =	vmul.f32 v62, v30;
	[tilespmem:v59+s17+$0x0] =	vst.idx.add.f32.msk $0xffff, v45  }
0xc2: {  	v41 =	vadd.s32 $0x7530, v41;
	v50 =	vshll.u32 v44, $0x10;
	v30 =	vmul.f32 v43, v30;
	v1 =	vld.idx.msk [tilespmem:v1+s16+$0x0], $0xffff  }
0xc3: {  	v55 =	vadd.s32 $0x7530, v39;
	v56 =	vshll.u32 v11, $0x10;
	v45 =	vmul.f32 v50, v28;
	[tilespmem:v61+s17+$0x0] =	vst.idx.add.f32.msk $0xffff, v48  }
0xc4: {  	v51 =	vadd.s32 $0x4E20, v40;
	v52 =	vand.u32 $0xFFFF0000, v44;
	v39 =	vmul.f32 v56, v16;
	[tilespmem:v42+s17+$0x0] =	vst.idx.add.f32.msk $0xffff, v30  }
0xc5: {  	v57 =	vadd.s32 $0x4E20, v38;
	v11 =	vand.u32 $0xFFFF0000, v11;
	v28 =	vmul.f32 v52, v28;
	[tilespmem:v63+s17+$0x0] =	vst.idx.add.f32.msk $0xffff, v45  }
0xc6: {  	v53 =	vshll.u32 v21, $0x10;
	v60 =	vadd.s32 $0x4E20, v35;
	v11 =	vmul.f32 v11, v16;
	[tilespmem:v54+s17+$0x0] =	vst.idx.add.f32.msk $0xffff, v39  }
0xc7: {  	v40 =	vadd.s32 $0x7530, v40;
	v59 =	vshll.u32 v9, $0x10;
	v42 =	vmul.f32 v53, v26;
	[tilespmem:v41+s17+$0x0] =	vst.idx.add.f32.msk $0xffff, v28  }
0xc8: {  	v21 =	vand.u32 $0xFFFF0000, v21;
	v62 =	vshll.u32 v8, $0x10;
	v30 =	vmul.f32 v59, v14;
	[tilespmem:v55+s17+$0x0] =	vst.idx.add.f32.msk $0xffff, v11  }
0xc9: {  	v21 =	vmul.f32 v21, v26;
	v61 =	vadd.s32 $0x7530, v35;
	v26 =	vmul.f32 v62, v13;
	[tilespmem:v51+s17+$0x0] =	vst.idx.add.f32.msk $0xffff, v42  }
0xca: {  	v38 =	vadd.s32 $0x4E20, v37;
	v46 =	vadd.s32 $0x4E20, v29;
	v9 =	vand.u32 $0xFFFF0000, v9;
	[tilespmem:v57+s17+$0x0] =	vst.idx.add.f32.msk $0xffff, v30  }
0xcb: {  	v8 =	vand.u32 $0xFFFF0000, v8;
	v9 =	vmul.f32 v9, v14;
	v63 =	vadd.s32 $0x4E20, v32;
	[tilespmem:v60+s17+$0x0] =	vst.idx.add.f32.msk $0xffff, v26  }
0xcc: {  	v49 =	vshll.u32 v4, $0x10;
	v8 =	vmul.f32 v8, v13;
	v48 =	vadd.s32 $0x7530, v29;
	[tilespmem:v40+s17+$0x0] =	vst.idx.add.f32.msk $0xffff, v21  }
0xcd: {  	v28 =	vadd.s32 $0x7530, v32;
	v30 =	vshll.u32 v7, $0x10;
	v51 =	vmul.f32 v49, v19;
	[tilespmem:v58+s17+$0x0] =	vst.idx.add.f32.msk $0xffff, v9  }
0xce: {  	v4 =	vand.u32 $0xFFFF0000, v4;
	v32 =	vadd.s32 $0x4E20, v36;
	v16 =	vmul.f32 v30, v12;
	[tilespmem:v61+s17+$0x0] =	vst.idx.add.f32.msk $0xffff, v8  }
0xcf: {  	v4 =	vmul.f32 v4, v19;
	v35 =	vadd.s32 $0x7530, v36;
	v7 =	vand.u32 $0xFFFF0000, v7;
	[tilespmem:v46+s17+$0x0] =	vst.idx.add.f32.msk $0xffff, v51  }
0xd0: {  	v36 =	vshll.u32 v0, $0x10;
	v41 =	vadd.s32 $0x4E20, v31;
	v7 =	vmul.f32 v7, v12;
	[tilespmem:v63+s17+$0x0] =	vst.idx.add.f32.msk $0xffff, v16  }
0xd1: {  	v50 =	vadd.s32 $0x4E20, v33;
	v11 =	vmul.f32 v36, v17;
	v40 =	vshll.u32 v6, $0x10;
	[tilespmem:v48+s17+$0x0] =	vst.idx.add.f32.msk $0xffff, v4  }
0xd2: {  	v44 =	vshll.u32 v5, $0x10;
	v42 =	vmul.f32 v40, v18;
	[tilespmem:v28+s17+$0x0] =	vst.idx.add.f32.msk $0xffff, v7  }
0xd3: {  	v47 =	vadd.s32 $0x2710, v10;
	v45 =	vmul.f32 v44, v15;
	v54 =	vshll.u32 v3, $0x10;
	[tilespmem:v32+s17+$0x0] =	vst.idx.add.f32.msk $0xffff, v11  }
0xd4: {  	v56 =	vadd.s32 $0x4E20, v27;
	v0 =	vand.u32 $0xFFFF0000, v0;
	v8 =	vmul.f32 v54, v20;
	[tilespmem:v38+s17+$0x0] =	vst.idx.add.f32.msk $0xffff, v42  }
0xd5: {  	v39 =	vadd.s32 $0x7530, v37;
	v0 =	vmul.f32 v0, v17;
	[tilespmem:v41+s17+$0x0] =	vst.idx.add.f32.msk $0xffff, v45  }
0xd6: {  	v43 =	vadd.s32 $0x7530, v31;
	v60 =	vshll.u32 v1, $0x10;
	[tilespmem:v50+s17+$0x0] =	vst.idx.add.f32.msk $0xffff, v8  }
0xd7: {  	v52 =	vadd.s32 $0x7530, v33;
	v6 =	vand.u32 $0xFFFF0000, v6;
	v62 =	vmul.f32 v60, v25;
	[tilespmem:v35+s17+$0x0] =	vst.idx.add.f32.msk $0xffff, v0  }
0xd8: {  	v5 =	vand.u32 $0xFFFF0000, v5;
	v53 =	vadd.s32 $0x4E20, v34;
	v6 =	vmul.f32 v6, v18;
	v0 =	vld.idx.msk [tilespmem:v47+s16+$0x0], $0xffff  }
0xd9: {  	v5 =	vmul.f32 v5, v15;
	v3 =	vand.u32 $0xFFFF0000, v3;
	v55 =	vadd.s32 $0x7530, v34;
	[tilespmem:v56+s17+$0x0] =	vst.idx.add.f32.msk $0xffff, v62  }
0xda: {  	v3 =	vmul.f32 v3, v20;
	v57 =	vshll.u32 v2, $0x10;
	v58 =	vadd.s32 $0x7530, v27;
	[tilespmem:v39+s17+$0x0] =	vst.idx.add.f32.msk $0xffff, v6  }
0xdb: {  	v59 =	vadd.s32 $0x4E20, v22;
	v2 =	vand.u32 $0xFFFF0000, v2;
	[tilespmem:v43+s17+$0x0] =	vst.idx.add.f32.msk $0xffff, v5;
	v6 =	vmul.f32 v57, v23  }
0xdc: {  	v2 =	vmul.f32 v2, v23;
	v1 =	vand.u32 $0xFFFF0000, v1;
	v61 =	vadd.s32 $0x7530, v22;
	[tilespmem:v52+s17+$0x0] =	vst.idx.add.f32.msk $0xffff, v3  }
0xdd: {  	v1 =	vmul.f32 v1, v25;
	[tilespmem:v53+s17+$0x0] =	vst.idx.add.f32.msk $0xffff, v6;
	v63 =	vshll.u32 v0, $0x10  }
0xde: {  	[tilespmem:v55+s17+$0x0] =	vst.idx.add.f32.msk $0xffff, v2;
	v0 =	vand.u32 $0xFFFF0000, v0;
	v2 =	vmul.f32 v63, v24  }
0xdf: {  	[tilespmem:v58+s17+$0x0] =	vst.idx.add.f32.msk $0xffff, v1;
	v0 =	vmul.f32 v0, v24  }
0xe0: {  	[tilespmem:v59+s17+$0x0] =	vst.idx.add.f32.msk $0xffff, v2  }
0xe1: {  	s24 =	simm.s32 $0x13B80;
	s23 =	simm.s32 $0x0;
	[tilespmem:v61+s17+$0x0] =	vst.idx.add.f32.msk $0xffff, v0  }
.LBB2_9:
0xe2: {  	v0 =	vld [tilespmem:s24+$0x70]  }
0xe3: {  	v1 =	vld [tilespmem:s24+$0xFFFFFF90]  }
0xe4: {  	v2 =	vld [tilespmem:s24+$0xFFFFFFA0]  }
0xe5: {  	v3 =	vld [tilespmem:s24+$0xFFFFFFB0]  }
0xe6: {  	v4 =	vld [tilespmem:s24+$0xFFFFFFC0]  }
0xe7: {  	v5 =	vld [tilespmem:s24+$0xFFFFFFD0]  }
0xe8: {  	v7 =	vld [tilespmem:s24+$0xFFFFFFE0]  }
0xe9: {  	v40 =	vld [tilespmem:s24+$0xFFFFFFF0]  }
0xea: {  	v41 =	vld [tilespmem:s24+$0x0]  }
0xeb: {  	v42 =	vld [tilespmem:s24+$0x10]  }
0xec: {  	v44 =	vld [tilespmem:s24+$0x20]  }
0xed: {  	v21 =	vld [tilespmem:s24+$0x30];
	v46 =	vshrl.u32 v1, $0xE  }
0xee: {  	v22 =	vld [tilespmem:s24+$0x40];
	v6 =	vand.u32 $0x3FFF, v0;
	v47 =	vshrl.u32 v2, $0xE;
	v8 =	vadd.s32 $0x2710, v46  }
0xef: {  	v23 =	vld [tilespmem:s24+$0x50];
	v1 =	vand.u32 $0x3FFF, v1;
	v52 =	vshrl.u32 v3, $0xE;
	v9 =	vadd.s32 $0x2710, v47;
	[tilespmem:$0x1FD40] =	vst v8  }
0xf0: {  	v28 =	vld [tilespmem:s24+$0x60];
	v2 =	vand.u32 $0x3FFF, v2;
	v58 =	vshrl.u32 v4, $0xE;
	v10 =	vadd.s32 $0x2710, v52;
	[tilespmem:$0x1FD50] =	vst v9  }
0xf1: {  	s22 =	sadd.s32 $0x100, s22;
	v31 =	vld [tilespmem:s24+$0xFFFFFF80];
	v3 =	vand.u32 $0x3FFF, v3;
	v57 =	vshrl.u32 v5, $0xE;
	v11 =	vadd.s32 $0x2710, v58;
	[tilespmem:$0x1FD60] =	vst v10  }
0xf2: {  	v29 =	vld [tilespmem:s22+$0x70];
	v4 =	vand.u32 $0x3FFF, v4;
	v54 =	vshrl.u32 v7, $0xE;
	v12 =	vadd.s32 $0x2710, v57;
	[tilespmem:$0x1FD70] =	vst v11  }
0xf3: {  	v5 =	vand.u32 $0x3FFF, v5;
	v53 =	vshrl.u32 v40, $0xE;
	v13 =	vadd.s32 $0x2710, v54;
	[tilespmem:$0x1FD80] =	vst v12;
	v43 =	vld.idx.msk [tilespmem:v6+s16+$0x0], $0xffff  }
0xf4: {  	v7 =	vand.u32 $0x3FFF, v7;
	v50 =	vshrl.u32 v41, $0xE;
	v45 =	vadd.s32 $0x2710, v53;
	[tilespmem:$0x1FD90] =	vst v13;
	v32 =	vld.idx.msk [tilespmem:v1+s16+$0x0], $0xffff  }
0xf5: {  	v51 =	vshrl.u32 v42, $0xE;
	v30 =	vand.u32 $0x3FFF, v44;
	v48 =	vadd.s32 $0x2710, v50;
	[tilespmem:$0x1FDA0] =	vst v45;
	v35 =	vld.idx.msk [tilespmem:v2+s16+$0x0], $0xffff  }
0xf6: {  	v0 =	vshrl.u32 v0, $0xE;
	v33 =	vand.u32 $0x3FFF, v21;
	v49 =	vadd.s32 $0x2710, v51;
	[tilespmem:$0x1FDB0] =	vst v48;
	v39 =	vld.idx.msk [tilespmem:v3+s16+$0x0], $0xffff  }
0xf7: {  	v34 =	vand.u32 $0x3FFF, v22;
	v25 =	vadd.s32 $0x2710, v5;
	v37 =	vadd.s32 $0x2710, v30;
	[tilespmem:$0x1FDC0] =	vst v49;
	v13 =	vld.idx.msk [tilespmem:v4+s16+$0x0], $0xffff  }
0xf8: {  	v9 =	vand.u32 $0x3FFF, v41;
	v41 =	vshrl.u32 v23, $0xE;
	v12 =	vand.u32 $0x3FFF, v23;
	[tilespmem:$0x1FE70] =	vst v25;
	v23 =	vld.idx.msk [tilespmem:v5+s16+$0x0], $0xffff  }
0xf9: {  	v27 =	vadd.s32 $0x2710, v0;
	v36 =	vadd.s32 $0x7530, v47;
	v8 =	vand.u32 $0x3FFF, v40;
	[tilespmem:$0x1FEC0] =	vst v37;
	v26 =	vld.idx.msk [tilespmem:v7+s16+$0x0], $0xffff  }
0xfa: {  	v10 =	vand.u32 $0x3FFF, v42;
	v42 =	vshrl.u32 v22, $0xE;
	v22 =	vadd.s32 $0x2710, v3;
	[tilespmem:$0x1FF60] =	vst v36;
	v25 =	vld.idx.msk [tilespmem:v30+s16+$0x0], $0xffff  }
0xfb: {  	v45 =	vshrl.u32 v44, $0xE;
	v37 =	vadd.s32 $0x4E20, v52;
	[tilespmem:$0x1FE50] =	vst v22;
	v4 =	vadd.s32 $0x2710, v4;
	v38 =	vld.idx.msk [tilespmem:v33+s16+$0x0], $0xffff  }
0xfc: {  	v56 =	vadd.s32 $0x2710, v45;
	v60 =	vadd.s32 $0x2710, v42;
	v6 =	vadd.s32 $0x2710, v6;
	[tilespmem:$0x1FE60] =	vst v4;
	v4 =	vld.idx.msk [tilespmem:v34+s16+$0x0], $0xffff  }
0xfd: {  	[tilespmem:$0x1FF70] =	vst v37;
	v44 =	vld.idx.msk [tilespmem:v9+s16+$0x0], $0xffff;
	v20 =	vshll.u32 v43, $0x10;
	v11 =	vand.u32 $0xFFFF0000, v43;
	v49 =	vshll.u32 v13, $0x10  }
0xfe: {  	[tilespmem:$0x1FDD0] =	vst v56;
	v19 =	vld.idx.msk [tilespmem:v12+s16+$0x0], $0xffff;
	v17 =	vand.u32 $0xFFFF0000, v13;
	v15 =	vshll.u32 v26, $0x10;
	v56 =	vand.u32 $0xFFFF0000, v26  }
0xff: {  	[tilespmem:$0x1FDF0] =	vst v60;
	v13 =	vadd.s32 $0x2710, v34;
	v26 =	vadd.s32 $0x2710, v12;
	v12 =	vld [tilespmem:s22+$0xFFFFFFB0];
	v55 =	vmul.f32 v20, v29  }
0x100: {  	v11 =	vmul.f32 v11, v29;
	[tilespmem:$0x1FEE0] =	vst v13;
	v13 =	vld [tilespmem:s22+$0xFFFFFFC0]  }
0x101: {  	v40 =	vshrl.u32 v28, $0xE;
	[tilespmem:v0+s17+$0x0] =	vst.idx.add.f32.msk $0xffff, v55  }
0x102: {  	v63 =	vadd.s32 $0x2710, v40;
	v22 =	vadd.s32 $0x2710, v9;
	[tilespmem:v27+s17+$0x0] =	vst.idx.add.f32.msk $0xffff, v11  }
0x103: {  	[tilespmem:$0x1FE10] =	vst v63;
	v48 =	vshll.u32 v39, $0x10;
	v20 =	vadd.s32 $0x2710, v8;
	v27 =	vshrl.u32 v31, $0xE;
	v6 =	vld.idx.msk [tilespmem:v6+s16+$0x0], $0xffff  }
0x104: {  	[tilespmem:$0x1FEA0] =	vst v22;
	v8 =	vld.idx.msk [tilespmem:v8+s16+$0x0], $0xffff;
	v31 =	vand.u32 $0x3FFF, v31;
	v18 =	vadd.s32 $0x4E20, v27;
	v48 =	vmul.f32 v48, v12  }
0x105: {  	v24 =	vadd.s32 $0x4E20, v0;
	[tilespmem:$0x1FF10] =	vst v18;
	v18 =	vld [tilespmem:s22+$0xFFFFFFD0];
	v22 =	vmul.f32 v49, v13  }
0x106: {  	v61 =	vadd.s32 $0x2710, v41;
	v1 =	vadd.s32 $0x2710, v1;
	v7 =	vadd.s32 $0x2710, v7;
	[tilespmem:v52+s17+$0x0] =	vst.idx.add.f32.msk $0xffff, v48  }
0x107: {  	v43 =	vshrl.u32 v21, $0xE;
	v63 =	vshll.u32 v32, $0x10;
	v14 =	vand.u32 $0xFFFF0000, v32;
	[tilespmem:v58+s17+$0x0] =	vst.idx.add.f32.msk $0xffff, v22  }
0x108: {  	[tilespmem:$0x1FE00] =	vst v61;
	v34 =	vadd.s32 $0x4E20, v47;
	v0 =	vadd.s32 $0x7530, v0;
	v22 =	vld [tilespmem:$0x1FE10];
	v21 =	vshll.u32 v6, $0x10  }
0x109: {  	[tilespmem:$0x1FE80] =	vst v7;
	v55 =	vand.u32 $0xFFFF0000, v23;
	v32 =	vld.idx.msk [tilespmem:v31+s16+$0x0], $0xffff;
	v6 =	vand.u32 $0xFFFF0000, v6;
	v7 =	vmul.f32 v21, v29  }
0x10a: {  	[tilespmem:$0x1FE30] =	vst v1;
	v6 =	vmul.f32 v6, v29;
	v29 =	vand.u32 $0xFFFF0000, v39;
	v39 =	vshll.u32 v23, $0x10;
	v23 =	vld.idx.msk [tilespmem:v10+s16+$0x0], $0xffff  }
0x10b: {  	[tilespmem:$0x1FF50] =	vst v34;
	v11 =	vand.u32 $0x3FFF, v28;
	v21 =	vld [tilespmem:s22+$0x0]  }
0x10c: {  	[tilespmem:$0x1FE90] =	vst v20;
	v20 =	vmul.f32 v39, v18;
	v39 =	vld [tilespmem:s22+$0x20]  }
0x10d: {  	v62 =	vadd.s32 $0x2710, v31;
	[tilespmem:v24+s17+$0x0] =	vst.idx.add.f32.msk $0xffff, v7  }
0x10e: {  	[tilespmem:$0x1FE20] =	vst v62;
	v7 =	vld [tilespmem:s22+$0xFFFFFF90]  }
0x10f: {  	v24 =	vadd.s32 $0x2710, v10;
	v10 =	vadd.s32 $0x2710, v33;
	[tilespmem:v0+s17+$0x0] =	vst.idx.add.f32.msk $0xffff, v6  }
0x110: {  	v30 =	vadd.s32 $0x2710, v11;
	[tilespmem:$0x1FED0] =	vst v10;
	v10 =	vld.idx.msk [tilespmem:v11+s16+$0x0], $0xffff  }
0x111: {  	v16 =	vand.u32 $0xFFFF0000, v35;
	[tilespmem:$0x1FF00] =	vst v30;
	v31 =	vadd.s32 $0x7530, v27;
	v6 =	vld [tilespmem:s22+$0xFFFFFF80]  }
0x112: {  	v36 =	vand.u32 $0xFFFF0000, v4;
	v28 =	vshll.u32 v8, $0x10;
	v60 =	vand.u32 $0xFFFF0000, v8;
	[tilespmem:$0x1FF20] =	vst v31;
	v11 =	vld [tilespmem:s22+$0xFFFFFFA0]  }
0x113: {  	v8 =	vadd.s32 $0x7530, v58;
	[tilespmem:$0x1FEB0] =	vst v24;
	v24 =	vshll.u32 v4, $0x10;
	v4 =	vadd.s32 $0x4E20, v58;
	v58 =	vld [tilespmem:$0x1FD70]  }
0x114: {  	v37 =	vand.u32 $0xFFFF0000, v38;
	v61 =	vand.u32 $0xFFFF0000, v44;
	v33 =	vadd.s32 $0x7530, v46;
	[tilespmem:v57+s17+$0x0] =	vst.idx.add.f32.msk $0xffff, v20  }
0x115: {  	v30 =	vshll.u32 v19, $0x10;
	[tilespmem:$0x1FF40] =	vst v33;
	v33 =	vand.u32 $0xFFFF0000, v19;
	v19 =	vadd.s32 $0x4E20, v53;
	v20 =	vld [tilespmem:$0x1FE00]  }
0x116: {  	v62 =	vshll.u32 v35, $0x10;
	v35 =	vshll.u32 v44, $0x10;
	v31 =	vand.u32 $0xFFFF0000, v25;
	[tilespmem:$0x1FFF0] =	vst v19;
	v19 =	vld [tilespmem:s22+$0x30]  }
0x117: {  	[tilespmem:$0x1FFA0] =	vst v8;
	v34 =	vshll.u32 v23, $0x10;
	v44 =	vand.u32 $0xFFFF0000, v23;
	v8 =	vmul.f32 v35, v21;
	v35 =	vld [tilespmem:s22+$0x50]  }
0x118: {  	[tilespmem:$0x1FEF0] =	vst v26;
	v23 =	vshll.u32 v25, $0x10;
	v25 =	vshll.u32 v38, $0x10;
	v38 =	vadd.s32 $0x7530, v52;
	v52 =	vld [tilespmem:$0x1FD60]  }
0x119: {  	v2 =	vadd.s32 $0x2710, v2;
	v59 =	vadd.s32 $0x2710, v43;
	[tilespmem:v50+s17+$0x0] =	vst.idx.add.f32.msk $0xffff, v8  }
0x11a: {  	[tilespmem:$0x1FF80] =	vst v38;
	v26 =	vshll.u32 v10, $0x10;
	v38 =	vand.u32 $0xFFFF0000, v10;
	v10 =	vmul.f32 v63, v7;
	v63 =	vld [tilespmem:s22+$0xFFFFFFE0]  }
0x11b: {  	[tilespmem:$0x1FE40] =	vst v2;
	v2 =	vmul.f32 v14, v7;
	v14 =	vadd.s32 $0x7530, v57;
	v3 =	vmul.f32 v62, v11;
	v62 =	vld [tilespmem:s22+$0xFFFFFFF0]  }
0x11c: {  	v9 =	vshll.u32 v32, $0x10;
	v23 =	vmul.f32 v23, v39;
	[tilespmem:$0x1FFC0] =	vst v14;
	v14 =	vmul.f32 v29, v12;
	v29 =	vld [tilespmem:s22+$0x10]  }
0x11d: {  	[tilespmem:$0x1FDE0] =	vst v59;
	v0 =	vmul.f32 v9, v6;
	v9 =	vadd.s32 $0x4E20, v57;
	v57 =	vld [tilespmem:$0x1FDA0]  }
0x11e: {  	[tilespmem:v45+s17+$0x0] =	vst.idx.add.f32.msk $0xffff, v23  }
0x11f: {  	v59 =	vadd.s32 $0x2710, v27;
	[tilespmem:$0x1FF90] =	vst v4;
	v23 =	vld [tilespmem:$0x1FE20]  }
0x120: {  	[tilespmem:v27+s17+$0x0] =	vst.idx.add.f32.msk $0xffff, v0  }
0x121: {  	v5 =	vand.u32 $0xFFFF0000, v32;
	[tilespmem:v46+s17+$0x0] =	vst.idx.add.f32.msk $0xffff, v10  }
0x122: {  	v1 =	vmul.f32 v5, v6;
	v4 =	vmul.f32 v16, v11;
	v16 =	vadd.s32 $0x4E20, v54;
	[tilespmem:v47+s17+$0x0] =	vst.idx.add.f32.msk $0xffff, v3  }
0x123: {  	[tilespmem:$0x1FFD0] =	vst v16;
	v16 =	vmul.f32 v17, v13;
	v27 =	vld [tilespmem:$0x1FD50]  }
0x124: {  	[tilespmem:v59+s17+$0x0] =	vst.idx.add.f32.msk $0xffff, v1  }
0x125: {  	v25 =	vmul.f32 v25, v19;
	[tilespmem:v58+s17+$0x0] =	vst.idx.add.f32.msk $0xffff, v16  }
0x126: {  	v58 =	vld [tilespmem:$0x1FDB0]  }
0x127: {  	[tilespmem:v43+s17+$0x0] =	vst.idx.add.f32.msk $0xffff, v25  }
0x128: {  	v30 =	vmul.f32 v30, v35;
	v16 =	vld [tilespmem:$0x1FDE0]  }
0x129: {  	v25 =	vld [tilespmem:$0x1FE30]  }
0x12a: {  	[tilespmem:v41+s17+$0x0] =	vst.idx.add.f32.msk $0xffff, v30  }
0x12b: {  	v17 =	vadd.s32 $0x7530, v54;
	v30 =	vld [tilespmem:$0x1FE50]  }
0x12c: {  	[tilespmem:$0x1FFE0] =	vst v17;
	v17 =	vmul.f32 v15, v63;
	v15 =	vmul.f32 v28, v62;
	v28 =	vld [tilespmem:s22+$0x40]  }
0x12d: {  	v5 =	vmul.f32 v34, v29;
	v34 =	vld [tilespmem:s22+$0x60]  }
0x12e: {  	v33 =	vmul.f32 v33, v35;
	[tilespmem:v52+s17+$0x0] =	vst.idx.add.f32.msk $0xffff, v14  }
0x12f: {  	v52 =	vld [tilespmem:$0x1FD80]  }
0x130: {  	[tilespmem:v20+s17+$0x0] =	vst.idx.add.f32.msk $0xffff, v33  }
0x131: {  	[tilespmem:v54+s17+$0x0] =	vst.idx.add.f32.msk $0xffff, v17  }
0x132: {  	[tilespmem:v53+s17+$0x0] =	vst.idx.add.f32.msk $0xffff, v15  }
0x133: {  	[tilespmem:v51+s17+$0x0] =	vst.idx.add.f32.msk $0xffff, v5  }
0x134: {  	v15 =	vld [tilespmem:$0x1FDD0]  }
0x135: {  	v17 =	vld [tilespmem:$0x1FDF0]  }
0x136: {  	v59 =	vadd.s32 $0x7530, v51;
	v0 =	vmul.f32 v44, v29;
	v44 =	vadd.s32 $0x4E20, v51;
	v51 =	vld [tilespmem:$0x1FEC0]  }
0x137: {  	v49 =	vadd.s32 $0x7530, v53;
	[tilespmem:$0x1FFB0] =	vst v9;
	v9 =	vmul.f32 v56, v63;
	v56 =	vmul.f32 v60, v62;
	v53 =	vld [tilespmem:$0x1FED0]  }
0x138: {  	v54 =	vld [tilespmem:$0x1FEE0]  }
0x139: {  	[tilespmem:v57+s17+$0x0] =	vst.idx.add.f32.msk $0xffff, v56  }
0x13a: {  	v56 =	vld [tilespmem:$0x1FF00]  }
0x13b: {  	v32 =	vadd.s32 $0x4E20, v46;
	v57 =	vld [tilespmem:$0x1FF10]  }
0x13c: {  	[tilespmem:$0x1FF30] =	vst v32;
	v32 =	vmul.f32 v61, v21;
	v1 =	vmul.f32 v24, v28;
	v24 =	vld [tilespmem:$0x1FD40]  }
0x13d: {  	v37 =	vmul.f32 v37, v19;
	[tilespmem:v27+s17+$0x0] =	vst.idx.add.f32.msk $0xffff, v4  }
0x13e: {  	[tilespmem:v58+s17+$0x0] =	vst.idx.add.f32.msk $0xffff, v32  }
0x13f: {  	[tilespmem:v16+s17+$0x0] =	vst.idx.add.f32.msk $0xffff, v37  }
0x140: {  	v32 =	vld [tilespmem:$0x1FE70]  }
0x141: {  	v58 =	vld [tilespmem:$0x1FF20]  }
0x142: {  	[tilespmem:v42+s17+$0x0] =	vst.idx.add.f32.msk $0xffff, v1  }
0x143: {  	v55 =	vmul.f32 v55, v18;
	v5 =	vld.idx.msk [tilespmem:v30+s16+$0x0], $0xffff  }
0x144: {  	v10 =	vadd.s32 $0x4E20, v42;
	v4 =	vadd.s32 $0x7530, v42;
	v42 =	vld [tilespmem:$0x1FEA0]  }
0x145: {  	v31 =	vmul.f32 v31, v39;
	[tilespmem:v52+s17+$0x0] =	vst.idx.add.f32.msk $0xffff, v55  }
0x146: {  	v36 =	vmul.f32 v36, v28;
	v55 =	vld [tilespmem:$0x1FD90]  }
0x147: {  	[tilespmem:v15+s17+$0x0] =	vst.idx.add.f32.msk $0xffff, v31  }
0x148: {  	[tilespmem:v17+s17+$0x0] =	vst.idx.add.f32.msk $0xffff, v36  }
0x149: {  	v31 =	vld [tilespmem:$0x1FE60]  }
0x14a: {  	v36 =	vld [tilespmem:$0x1FE80]  }
0x14b: {  	[tilespmem:v24+s17+$0x0] =	vst.idx.add.f32.msk $0xffff, v2  }
0x14c: {  	v46 =	vadd.s32 $0x4E20, v45;
	v24 =	vadd.s32 $0x7530, v45;
	v2 =	vmul.f32 v26, v34;
	v45 =	vld [tilespmem:$0x1FEB0]  }
0x14d: {  	v1 =	vld.idx.msk [tilespmem:v25+s16+$0x0], $0xffff  }
0x14e: {  	[tilespmem:v40+s17+$0x0] =	vst.idx.add.f32.msk $0xffff, v2  }
0x14f: {  	v14 =	vadd.s32 $0x4E20, v40;
	v26 =	vmul.f32 v38, v34;
	v38 =	vadd.s32 $0x7530, v40;
	v40 =	vld [tilespmem:$0x1FE90]  }
0x150: {  	[tilespmem:v55+s17+$0x0] =	vst.idx.add.f32.msk $0xffff, v9  }
0x151: {  	v9 =	vld [tilespmem:$0x1FDC0]  }
0x152: {  	[tilespmem:v22+s17+$0x0] =	vst.idx.add.f32.msk $0xffff, v26  }
0x153: {  	v26 =	vld [tilespmem:$0x1FE40]  }
0x154: {  	v22 =	vld.idx.msk [tilespmem:v42+s16+$0x0], $0xffff  }
0x155: {  	v55 =	vld [tilespmem:$0x1FEF0]  }
0x156: {  	v8 =	vld.idx.msk [tilespmem:v31+s16+$0x0], $0xffff  }
0x157: {  	v16 =	vld.idx.msk [tilespmem:v36+s16+$0x0], $0xffff  }
0x158: {  	v31 =	vld.idx.msk [tilespmem:v53+s16+$0x0], $0xffff;
	v37 =	vshll.u32 v1, $0x10  }
0x159: {  	v17 =	vmul.f32 v37, v7;
	v37 =	vld.idx.msk [tilespmem:v56+s16+$0x0], $0xffff  }
0x15a: {  	v20 =	vld.idx.msk [tilespmem:v40+s16+$0x0], $0xffff  }
0x15b: {  	v40 =	vld [tilespmem:$0x1FFA0]  }
0x15c: {  	[tilespmem:v9+s17+$0x0] =	vst.idx.add.f32.msk $0xffff, v0  }
0x15d: {  	v0 =	vld.idx.msk [tilespmem:v23+s16+$0x0], $0xffff  }
0x15e: {  	v2 =	vld.idx.msk [tilespmem:v26+s16+$0x0], $0xffff  }
0x15f: {  	v9 =	vld.idx.msk [tilespmem:v32+s16+$0x0], $0xffff  }
0x160: {  	v26 =	vld.idx.msk [tilespmem:v51+s16+$0x0], $0xffff  }
0x161: {  	v47 =	vadd.s32 $0x4E20, v43;
	v27 =	vadd.s32 $0x7530, v43;
	v43 =	vshll.u32 v5, $0x10;
	v32 =	vld.idx.msk [tilespmem:v54+s16+$0x0], $0xffff  }
0x162: {  	v23 =	vmul.f32 v43, v12;
	v43 =	vld [tilespmem:$0x1FF30]  }
0x163: {  	v61 =	vadd.s32 $0x7530, v50;
	v60 =	vadd.s32 $0x4E20, v50;
	v1 =	vand.u32 $0xFFFF0000, v1;
	v54 =	vld [tilespmem:$0x1FF50]  }
0x164: {  	v1 =	vmul.f32 v1, v7;
	v50 =	vshll.u32 v8, $0x10;
	v25 =	vld.idx.msk [tilespmem:v45+s16+$0x0], $0xffff;
	v45 =	vshll.u32 v31, $0x10  }
0x165: {  	v36 =	vld.idx.msk [tilespmem:v55+s16+$0x0], $0xffff;
	v7 =	vmul.f32 v50, v13;
	v50 =	vand.u32 $0xFFFF0000, v31;
	v45 =	vmul.f32 v45, v19  }
0x166: {  	v51 =	vld [tilespmem:$0x1FF40];
	v50 =	vmul.f32 v50, v19;
	v33 =	vshll.u32 v0, $0x10  }
0x167: {  	v48 =	vadd.s32 $0x7530, v41;
	[tilespmem:v47+s17+$0x0] =	vst.idx.add.f32.msk $0xffff, v45;
	v15 =	vmul.f32 v33, v6  }
0x168: {  	v3 =	vadd.s32 $0x4E20, v41;
	v0 =	vand.u32 $0xFFFF0000, v0;
	v41 =	vshll.u32 v2, $0x10;
	[tilespmem:v27+s17+$0x0] =	vst.idx.add.f32.msk $0xffff, v50  }
0x169: {  	v0 =	vmul.f32 v0, v6;
	v6 =	vmul.f32 v41, v11;
	[tilespmem:v57+s17+$0x0] =	vst.idx.add.f32.msk $0xffff, v15  }
0x16a: {  	[tilespmem:v43+s17+$0x0] =	vst.idx.add.f32.msk $0xffff, v17  }
0x16b: {  	[tilespmem:v54+s17+$0x0] =	vst.idx.add.f32.msk $0xffff, v6  }
0x16c: {  	v55 =	vshll.u32 v36, $0x10;
	v57 =	vld [tilespmem:$0x1FF60]  }
0x16d: {  	v55 =	vmul.f32 v55, v35;
	v43 =	vld [tilespmem:$0x1FFB0]  }
0x16e: {  	v54 =	vld [tilespmem:$0x1FFD0]  }
0x16f: {  	[tilespmem:v3+s17+$0x0] =	vst.idx.add.f32.msk $0xffff, v55  }
0x170: {  	[tilespmem:v58+s17+$0x0] =	vst.idx.add.f32.msk $0xffff, v0  }
0x171: {  	v41 =	vshll.u32 v26, $0x10;
	[tilespmem:v51+s17+$0x0] =	vst.idx.add.f32.msk $0xffff, v1  }
0x172: {  	v56 =	vand.u32 $0xFFFF0000, v36;
	v41 =	vmul.f32 v41, v39;
	v58 =	vld [tilespmem:$0x1FF70]  }
0x173: {  	v42 =	vand.u32 $0xFFFF0000, v26;
	v56 =	vmul.f32 v56, v35;
	v51 =	vld [tilespmem:$0x1FFC0]  }
0x174: {  	v52 =	vshll.u32 v9, $0x10;
	v42 =	vmul.f32 v42, v39;
	v15 =	vshll.u32 v25, $0x10;
	[tilespmem:v46+s17+$0x0] =	vst.idx.add.f32.msk $0xffff, v41  }
0x175: {  	v17 =	vmul.f32 v52, v18;
	v52 =	vshll.u32 v32, $0x10;
	v36 =	vmul.f32 v15, v29;
	[tilespmem:v48+s17+$0x0] =	vst.idx.add.f32.msk $0xffff, v56  }
0x176: {  	v53 =	vand.u32 $0xFFFF0000, v32;
	v52 =	vmul.f32 v52, v28;
	[tilespmem:v24+s17+$0x0] =	vst.idx.add.f32.msk $0xffff, v42  }
0x177: {  	v2 =	vand.u32 $0xFFFF0000, v2;
	v53 =	vmul.f32 v53, v28;
	[tilespmem:v44+s17+$0x0] =	vst.idx.add.f32.msk $0xffff, v36  }
0x178: {  	v2 =	vmul.f32 v2, v11;
	[tilespmem:v10+s17+$0x0] =	vst.idx.add.f32.msk $0xffff, v52  }
0x179: {  	[tilespmem:v4+s17+$0x0] =	vst.idx.add.f32.msk $0xffff, v53  }
0x17a: {  	v11 =	vshll.u32 v16, $0x10;
	v16 =	vand.u32 $0xFFFF0000, v16;
	[tilespmem:v57+s17+$0x0] =	vst.idx.add.f32.msk $0xffff, v2  }
0x17b: {  	v6 =	vmul.f32 v11, v63;
	v2 =	vmul.f32 v16, v63;
	v63 =	vld [tilespmem:$0x1FF80]  }
0x17c: {  	[tilespmem:v43+s17+$0x0] =	vst.idx.add.f32.msk $0xffff, v17  }
0x17d: {  	[tilespmem:v54+s17+$0x0] =	vst.idx.add.f32.msk $0xffff, v6  }
0x17e: {  	v5 =	vand.u32 $0xFFFF0000, v5;
	v9 =	vand.u32 $0xFFFF0000, v9;
	v33 =	vshll.u32 v20, $0x10;
	v57 =	vld [tilespmem:$0x1FFE0]  }
0x17f: {  	v25 =	vand.u32 $0xFFFF0000, v25;
	v32 =	vand.u32 $0xFFFF0000, v37;
	v1 =	vmul.f32 v9, v18;
	[tilespmem:v58+s17+$0x0] =	vst.idx.add.f32.msk $0xffff, v23  }
0x180: {  	v16 =	vshll.u32 v37, $0x10;
	v37 =	vmul.f32 v25, v29;
	v23 =	vmul.f32 v33, v62;
	v33 =	vld [tilespmem:$0x1FF90]  }
0x181: {  	v5 =	vmul.f32 v5, v12;
	[tilespmem:v51+s17+$0x0] =	vst.idx.add.f32.msk $0xffff, v1  }
0x182: {  	[tilespmem:v59+s17+$0x0] =	vst.idx.add.f32.msk $0xffff, v37  }
0x183: {  	v20 =	vand.u32 $0xFFFF0000, v20;
	v58 =	vmul.f32 v16, v34;
	[tilespmem:v63+s17+$0x0] =	vst.idx.add.f32.msk $0xffff, v5  }
0x184: {  	v20 =	vmul.f32 v20, v62;
	v62 =	vmul.f32 v32, v34;
	v63 =	vld [tilespmem:$0x1FFF0]  }
0x185: {  	[tilespmem:v14+s17+$0x0] =	vst.idx.add.f32.msk $0xffff, v58  }
0x186: {  	v8 =	vand.u32 $0xFFFF0000, v8;
	[tilespmem:v38+s17+$0x0] =	vst.idx.add.f32.msk $0xffff, v62  }
0x187: {  	s23 =	sadd.s32 $0x10, s23;
	v12 =	vshll.u32 v22, $0x10;
	v0 =	vmul.f32 v8, v13;
	[tilespmem:v57+s17+$0x0] =	vst.idx.add.f32.msk $0xffff, v2  }
0x188: {  	p0 =	slt.u32 s23, $0x1E0;
	v22 =	vand.u32 $0xFFFF0000, v22;
	v5 =	vmul.f32 v12, v21;
	[tilespmem:v33+s17+$0x0] =	vst.idx.add.f32.msk $0xffff, v7  }
.Ltmp3:
0x189: {  	v12 =	vmul.f32 v22, v21;
	[tilespmem:v40+s17+$0x0] =	vst.idx.add.f32.msk $0xffff, v0;
	(pc) =	sbr.rel @p0 .LBB2_9-.Ltmp3, $4  }
0x18a: {  	[tilespmem:v60+s17+$0x0] =	vst.idx.add.f32.msk $0xffff, v5  }
0x18b: {  	[tilespmem:v61+s17+$0x0] =	vst.idx.add.f32.msk $0xffff, v12  }
0x18c: {  	[tilespmem:v63+s17+$0x0] =	vst.idx.add.f32.msk $0xffff, v23  }
0x18d: {  	s25 =	simm.s32 $0x0;
	s24 =	sadd.s32 $0x100, s24;
	[tilespmem:v49+s17+$0x0] =	vst.idx.add.f32.msk $0xffff, v20  }
.LBB2_10:
0x18e: {  	s22 =	sshra.s32 s25, $0x2  }
0x18f: {  	v0 =	vld [tilespmem:s22+$0x15900];
	_ =	sdelay $0x4  }
0x190: {  	v1 =	vand.u32 $0x3FFF, v0;
	_ =	sdelay $0x4  }
0x191: {  	v2 =	vld.idx.msk [tilespmem:v1+s16+$0x0], $0xffff  }
0x192: {  	v3 =	vld [tilespmem:s22+$0x17880];
	_ =	sdelay $0x1  }
0x193: {  	v0 =	vshrl.u32 v0, $0xE  }
0x194: {  	v4 =	vadd.s32 $0x2710, v0  }
0x195: {  	v1 =	vadd.s32 $0x2710, v1;
	v5 =	vshll.u32 v2, $0x10  }
0x196: {  	v2 =	vand.u32 $0xFFFF0000, v2;
	v5 =	vmul.f32 v5, v3  }
0x197: {  	v2 =	vmul.f32 v2, v3  }
0x198: {  	[tilespmem:v0+s17+$0x0] =	vst.idx.add.f32.msk $0xffff, v5  }
0x199: {  	[tilespmem:v4+s17+$0x0] =	vst.idx.add.f32.msk $0xffff, v2  }
0x19a: {  	v1 =	vld.idx.msk [tilespmem:v1+s16+$0x0], $0xffff;
	_ =	sdelay $0x2  }
0x19b: {  	v62 =	vadd.s32 $0x4E20, v0  }
0x19c: {  	p0 =	sne.s32 s25, $0xC0;
	v0 =	vadd.s32 $0x7530, v0  }
.Ltmp4:
0x19d: {  	v63 =	vshll.u32 v1, $0x10;
	(pc) =	sbr.rel @p0 .LBB2_10-.Ltmp4, $4  }
0x19e: {  	v1 =	vand.u32 $0xFFFF0000, v1;
	v4 =	vmul.f32 v63, v3  }
0x19f: {  	v1 =	vmul.f32 v1, v3  }
0x1a0: {  	[tilespmem:v62+s17+$0x0] =	vst.idx.add.f32.msk $0xffff, v4  }
0x1a1: {  	s25 =	sadd.s32 $0x40, s25;
	[tilespmem:v0+s17+$0x0] =	vst.idx.add.f32.msk $0xffff, v1  }
0x1a2: {  	p0 =	seq.s32 s20, $0x13  }
0x1a3: {  	s21 =	sshrl.u32 @!p0 s21, $0x3  }
0x1a4: {  	s21 =	sadd.s32 @!p0 $0x7D0, s21  }
0x1a5: {  	s23 =	simm.s32 @!p0 $0x0;
	s24 =	simm.s32 @!p0 $0x13A00;
	s22 =	sadd.s32 @!p0 s4, s21  }
0x1a6: {  	[tilespmem:s24], [sflag:$0x1] =	stream.linear.gather @!p0 [hbm4b:s22+s23], $0x1F40, $0x38;
	[tilespmem:$0x1B800] =	vst v63  }
0x1a7: {  	s21 =	sadd.s32 @!p0 s3, s21;
	s22 =	simm.s32 @!p0 $0x15980  }
0x1a8: {  	[tilespmem:s22], [sflag:$0x1] =	stream.linear.gather @!p0 [hbm4b:s21+s23], $0x1F40, $0x38;
	[tilespmem:$0x1B800] =	vst v63  }
0x1a9: {  	_ =	swait.ge [sflag:s18], $0x1F40  }
0x1aa: {  	[sflag:s18] =	ssyncset.done $0x0  }
0x1ab: {  	[sflag:s18] =	ssyncadd.s32 $0xFFFFE0C0  }
0x1ac: {  	_ =	swait.ge [sflag:s18], $0x1F40  }
0x1ad: {  	[sflag:s18] =	ssyncset.done $0x0  }
0x1ae: {  	s31 =	simm.s32 $0x17980;
	[sflag:s18] =	ssyncadd.s32 $0xFFFFE0C0  }
0x1af: {  	v0 =	vld [tilespmem:s31+$0x70]  }
0x1b0: {  	v10 =	vld [tilespmem:s31+$0xFFFFFF90]  }
0x1b1: {  	v12 =	vld [tilespmem:s31+$0xFFFFFFA0]  }
0x1b2: {  	v13 =	vld [tilespmem:s31+$0xFFFFFFB0]  }
0x1b3: {  	v15 =	vld [tilespmem:s31+$0xFFFFFFC0]  }
0x1b4: {  	v17 =	vld [tilespmem:s31+$0xFFFFFFD0]  }
0x1b5: {  	v18 =	vld [tilespmem:s31+$0xFFFFFFE0]  }
0x1b6: {  	v29 =	vld [tilespmem:s31+$0xFFFFFFF0]  }
0x1b7: {  	v31 =	vld [tilespmem:s31+$0x0]  }
0x1b8: {  	v19 =	vld [tilespmem:s31+$0x10]  }
0x1b9: {  	v14 =	vld [tilespmem:s31+$0xFFFFFF80]  }
0x1ba: {  	s21 =	simm.s32 $0x19900;
	v20 =	vld [tilespmem:s31+$0x20]  }
0x1bb: {  	v3 =	vld [tilespmem:s21+$0x70]  }
0x1bc: {  	v23 =	vld [tilespmem:s31+$0x30];
	v1 =	vand.u32 $0x3FFF, v0  }
0x1bd: {  	v25 =	vld [tilespmem:s31+$0x40];
	v24 =	vand.u32 $0x3FFF, v10  }
0x1be: {  	v27 =	vld [tilespmem:s31+$0x50];
	v43 =	vand.u32 $0x3FFF, v14  }
0x1bf: {  	v22 =	vld [tilespmem:s31+$0x60];
	v21 =	vand.u32 $0x3FFF, v12  }
0x1c0: {  	v30 =	vld [tilespmem:s21+$0xFFFFFF80];
	v11 =	vand.u32 $0x3FFF, v13  }
0x1c1: {  	v9 =	vand.u32 $0x3FFF, v15;
	v2 =	vld.idx.msk [tilespmem:v1+s16+$0x0], $0xffff  }
0x1c2: {  	v8 =	vand.u32 $0x3FFF, v17;
	v32 =	vld.idx.msk [tilespmem:v24+s16+$0x0], $0xffff  }
0x1c3: {  	v26 =	vld.idx.msk [tilespmem:v43+s16+$0x0], $0xffff  }
0x1c4: {  	v7 =	vand.u32 $0x3FFF, v18;
	v33 =	vld.idx.msk [tilespmem:v21+s16+$0x0], $0xffff  }
0x1c5: {  	v6 =	vand.u32 $0x3FFF, v31;
	v34 =	vld.idx.msk [tilespmem:v11+s16+$0x0], $0xffff  }
0x1c6: {  	v4 =	vshrl.u32 v0, $0xE;
	v36 =	vld.idx.msk [tilespmem:v9+s16+$0x0], $0xffff  }
0x1c7: {  	v0 =	vadd.s32 $0x2710, v4;
	v1 =	vadd.s32 $0x2710, v1;
	v37 =	vld.idx.msk [tilespmem:v8+s16+$0x0], $0xffff  }
0x1c8: {  	v5 =	vshll.u32 v2, $0x10;
	v38 =	vshll.u32 v26, $0x10;
	v53 =	vand.u32 $0xFFFF0000, v26;
	v26 =	vld [tilespmem:s21+$0xFFFFFFA0]  }
0x1c9: {  	v40 =	vshrl.u32 v12, $0xE;
	v44 =	vld.idx.msk [tilespmem:v7+s16+$0x0], $0xffff;
	v2 =	vand.u32 $0xFFFF0000, v2;
	v5 =	vmul.f32 v5, v3  }
0x1ca: {  	v35 =	vadd.s32 $0x4E20, v4;
	v16 =	vadd.s32 $0x7530, v4;
	v46 =	vld.idx.msk [tilespmem:v6+s16+$0x0], $0xffff;
	v2 =	vmul.f32 v2, v3  }
0x1cb: {  	v56 =	vadd.s32 $0x2710, v40;
	v57 =	vshll.u32 v33, $0x10;
	[tilespmem:v4+s17+$0x0] =	vst.idx.add.f32.msk $0xffff, v5;
	v5 =	vand.u32 $0x3FFF, v19  }
0x1cc: {  	v58 =	vand.u32 $0xFFFF0000, v33;
	v4 =	vand.u32 $0x3FFF, v20;
	[tilespmem:v0+s17+$0x0] =	vst.idx.add.f32.msk $0xffff, v2;
	v0 =	vand.u32 $0x3FFF, v29  }
0x1cd: {  	v1 =	vld.idx.msk [tilespmem:v1+s16+$0x0], $0xffff;
	v59 =	vmul.f32 v57, v26;
	v60 =	vmul.f32 v58, v26;
	v57 =	vshll.u32 v37, $0x10  }
0x1ce: {  	v58 =	vand.u32 $0xFFFF0000, v37;
	v37 =	vshrl.u32 v31, $0xE;
	v31 =	vshrl.u32 v19, $0xE;
	v19 =	vld [tilespmem:s21+$0x20]  }
0x1cf: {  	v2 =	vand.u32 $0x3FFF, v25;
	[tilespmem:v40+s17+$0x0] =	vst.idx.add.f32.msk $0xffff, v59  }
0x1d0: {  	v21 =	vadd.s32 $0x2710, v21;
	v47 =	vld.idx.msk [tilespmem:v5+s16+$0x0], $0xffff  }
0x1d1: {  	v48 =	vld.idx.msk [tilespmem:v4+s16+$0x0], $0xffff  }
0x1d2: {  	[tilespmem:v56+s17+$0x0] =	vst.idx.add.f32.msk $0xffff, v60  }
0x1d3: {  	v45 =	vld.idx.msk [tilespmem:v0+s16+$0x0], $0xffff;
	v28 =	vshll.u32 v1, $0x10  }
0x1d4: {  	v50 =	vld.idx.msk [tilespmem:v2+s16+$0x0], $0xffff;
	v28 =	vmul.f32 v28, v3  }
0x1d5: {  	v42 =	vshrl.u32 v14, $0xE;
	v21 =	vld.idx.msk [tilespmem:v21+s16+$0x0], $0xffff;
	v1 =	vand.u32 $0xFFFF0000, v1  }
0x1d6: {  	v1 =	vmul.f32 v1, v3;
	[tilespmem:v35+s17+$0x0] =	vst.idx.add.f32.msk $0xffff, v28  }
0x1d7: {  	v3 =	vand.u32 $0x3FFF, v23;
	v28 =	vld [tilespmem:s21+$0xFFFFFF90]  }
0x1d8: {  	v14 =	vadd.s32 $0x2710, v42;
	v35 =	vmul.f32 v38, v30;
	[tilespmem:v16+s17+$0x0] =	vst.idx.add.f32.msk $0xffff, v1  }
0x1d9: {  	v16 =	vld [tilespmem:s21+$0xFFFFFFB0]  }
0x1da: {  	v43 =	vadd.s32 $0x2710, v43;
	[tilespmem:v42+s17+$0x0] =	vst.idx.add.f32.msk $0xffff, v35  }
0x1db: {  	v41 =	vshrl.u32 v10, $0xE;
	v10 =	vmul.f32 v53, v30;
	v35 =	vshrl.u32 v17, $0xE;
	v17 =	vld [tilespmem:s21+$0xFFFFFFF0]  }
0x1dc: {  	v1 =	vand.u32 $0x3FFF, v27;
	v49 =	vld.idx.msk [tilespmem:v3+s16+$0x0], $0xffff  }
0x1dd: {  	[tilespmem:v14+s17+$0x0] =	vst.idx.add.f32.msk $0xffff, v10  }
0x1de: {  	v38 =	vadd.s32 $0x2710, v41;
	v14 =	vld [tilespmem:s21+$0xFFFFFFC0]  }
0x1df: {  	v39 =	vshll.u32 v32, $0x10;
	v43 =	vld.idx.msk [tilespmem:v43+s16+$0x0], $0xffff  }
0x1e0: {  	v54 =	vand.u32 $0xFFFF0000, v32;
	v55 =	vmul.f32 v39, v28;
	v39 =	vshrl.u32 v13, $0xE;
	v13 =	vld [tilespmem:s21+$0xFFFFFFD0]  }
0x1e1: {  	v12 =	vmul.f32 v54, v28;
	v51 =	vld.idx.msk [tilespmem:v1+s16+$0x0], $0xffff  }
0x1e2: {  	v61 =	vshll.u32 v34, $0x10;
	v52 =	vadd.s32 $0x2710, v39;
	[tilespmem:v41+s17+$0x0] =	vst.idx.add.f32.msk $0xffff, v55  }
0x1e3: {  	v32 =	vmul.f32 v61, v16;
	[tilespmem:v38+s17+$0x0] =	vst.idx.add.f32.msk $0xffff, v12  }
0x1e4: {  	v62 =	vand.u32 $0xFFFF0000, v34;
	v12 =	vld [tilespmem:s21+$0xFFFFFFE0]  }
0x1e5: {  	v11 =	vadd.s32 $0x2710, v11;
	v38 =	vshrl.u32 v15, $0xE;
	v15 =	vmul.f32 v62, v16;
	[tilespmem:v39+s17+$0x0] =	vst.idx.add.f32.msk $0xffff, v32  }
0x1e6: {  	v32 =	vshrl.u32 v18, $0xE;
	v18 =	vld [tilespmem:s21+$0x0]  }
0x1e7: {  	v63 =	vadd.s32 $0x2710, v38;
	v59 =	vmul.f32 v57, v13;
	[tilespmem:v52+s17+$0x0] =	vst.idx.add.f32.msk $0xffff, v15  }
0x1e8: {  	v53 =	vshll.u32 v36, $0x10;
	v10 =	vand.u32 $0x3FFF, v22;
	v15 =	vld [tilespmem:s21+$0x10]  }
0x1e9: {  	v54 =	vand.u32 $0xFFFF0000, v36;
	v55 =	vadd.s32 $0x2710, v35;
	v33 =	vmul.f32 v53, v14;
	[tilespmem:v35+s17+$0x0] =	vst.idx.add.f32.msk $0xffff, v59  }
0x1ea: {  	v56 =	vmul.f32 v54, v14;
	v11 =	vld.idx.msk [tilespmem:v11+s16+$0x0], $0xffff  }
0x1eb: {  	v9 =	vadd.s32 $0x2710, v9;
	[tilespmem:v38+s17+$0x0] =	vst.idx.add.f32.msk $0xffff, v33  }
0x1ec: {  	v60 =	vshll.u32 v44, $0x10;
	v34 =	vadd.s32 $0x2710, v32;
	v33 =	vmul.f32 v58, v13;
	[tilespmem:v63+s17+$0x0] =	vst.idx.add.f32.msk $0xffff, v56  }
0x1ed: {  	v59 =	vand.u32 $0xFFFF0000, v45;
	v61 =	vmul.f32 v60, v12;
	v56 =	vshll.u32 v45, $0x10;
	v45 =	vld.idx.msk [tilespmem:v10+s16+$0x0], $0xffff  }
0x1ee: {  	[tilespmem:v55+s17+$0x0] =	vst.idx.add.f32.msk $0xffff, v33  }
0x1ef: {  	v8 =	vadd.s32 $0x2710, v8;
	v62 =	vand.u32 $0xFFFF0000, v44;
	[tilespmem:v32+s17+$0x0] =	vst.idx.add.f32.msk $0xffff, v61  }
0x1f0: {  	v36 =	vshrl.u32 v29, $0xE;
	v57 =	vmul.f32 v62, v12;
	v33 =	vshrl.u32 v23, $0xE;
	v23 =	vld [tilespmem:s21+$0x40]  }
0x1f1: {  	v9 =	vld.idx.msk [tilespmem:v9+s16+$0x0], $0xffff  }
0x1f2: {  	v7 =	vadd.s32 $0x2710, v7;
	[tilespmem:v34+s17+$0x0] =	vst.idx.add.f32.msk $0xffff, v57  }
0x1f3: {  	v62 =	vshll.u32 v46, $0x10;
	v58 =	vmul.f32 v56, v17;
	v34 =	vshrl.u32 v25, $0xE;
	v25 =	vld [tilespmem:s21+$0x50]  }
0x1f4: {  	v60 =	vadd.s32 $0x2710, v37;
	v29 =	vmul.f32 v62, v18;
	v8 =	vld.idx.msk [tilespmem:v8+s16+$0x0], $0xffff  }
0x1f5: {  	[tilespmem:v36+s17+$0x0] =	vst.idx.add.f32.msk $0xffff, v58  }
0x1f6: {  	v46 =	vand.u32 $0xFFFF0000, v46;
	v63 =	vadd.s32 $0x2710, v36;
	[tilespmem:v37+s17+$0x0] =	vst.idx.add.f32.msk $0xffff, v29  }
0x1f7: {  	v54 =	vmul.f32 v46, v18;
	v55 =	vshll.u32 v47, $0x10;
	v29 =	vshrl.u32 v20, $0xE;
	v20 =	vld [tilespmem:s21+$0x30]  }
0x1f8: {  	v6 =	vadd.s32 $0x2710, v6;
	v46 =	vmul.f32 v55, v15;
	v7 =	vld.idx.msk [tilespmem:v7+s16+$0x0], $0xffff  }
0x1f9: {  	v0 =	vadd.s32 $0x2710, v0;
	[tilespmem:v60+s17+$0x0] =	vst.idx.add.f32.msk $0xffff, v54  }
0x1fa: {  	v61 =	vmul.f32 v59, v17;
	[tilespmem:v31+s17+$0x0] =	vst.idx.add.f32.msk $0xffff, v46  }
0x1fb: {  	v56 =	vadd.s32 $0x2710, v29;
	v54 =	vadd.s32 $0x2710, v24;
	v24 =	vld [tilespmem:s21+$0x60]  }
0x1fc: {  	v47 =	vand.u32 $0xFFFF0000, v47;
	v58 =	vshll.u32 v48, $0x10;
	[tilespmem:v63+s17+$0x0] =	vst.idx.add.f32.msk $0xffff, v61  }
0x1fd: {  	v59 =	vand.u32 $0xFFFF0000, v48;
	v46 =	vmul.f32 v58, v19;
	v63 =	vadd.s32 $0x2710, v31;
	v6 =	vld.idx.msk [tilespmem:v6+s16+$0x0], $0xffff  }
0x1fe: {  	v57 =	vmul.f32 v47, v15;
	v47 =	vmul.f32 v59, v19;
	v0 =	vld.idx.msk [tilespmem:v0+s16+$0x0], $0xffff  }
0x1ff: {  	v4 =	vadd.s32 $0x2710, v4;
	[tilespmem:v29+s17+$0x0] =	vst.idx.add.f32.msk $0xffff, v46  }
0x200: {  	v5 =	vadd.s32 $0x2710, v5;
	v61 =	vshll.u32 v49, $0x10;
	[tilespmem:v56+s17+$0x0] =	vst.idx.add.f32.msk $0xffff, v47  }
0x201: {  	v60 =	vadd.s32 $0x2710, v33;
	v46 =	vmul.f32 v61, v20;
	v44 =	vld.idx.msk [tilespmem:v54+s16+$0x0], $0xffff  }
0x202: {  	[tilespmem:v63+s17+$0x0] =	vst.idx.add.f32.msk $0xffff, v57  }
0x203: {  	v62 =	vand.u32 $0xFFFF0000, v49;
	v52 =	vadd.s32 $0x2710, v34;
	[tilespmem:v33+s17+$0x0] =	vst.idx.add.f32.msk $0xffff, v46  }
0x204: {  	v3 =	vadd.s32 $0x2710, v3;
	v53 =	vshll.u32 v50, $0x10;
	v63 =	vmul.f32 v62, v20;
	v4 =	vld.idx.msk [tilespmem:v4+s16+$0x0], $0xffff  }
0x205: {  	v27 =	vshrl.u32 v27, $0xE;
	v55 =	vand.u32 $0xFFFF0000, v50;
	v46 =	vmul.f32 v53, v23;
	v5 =	vld.idx.msk [tilespmem:v5+s16+$0x0], $0xffff  }
0x206: {  	v2 =	vadd.s32 $0x2710, v2;
	v47 =	vmul.f32 v55, v23;
	[tilespmem:v60+s17+$0x0] =	vst.idx.add.f32.msk $0xffff, v63  }
0x207: {  	v56 =	vadd.s32 $0x2710, v27;
	v57 =	vshll.u32 v51, $0x10;
	[tilespmem:v34+s17+$0x0] =	vst.idx.add.f32.msk $0xffff, v46  }
0x208: {  	v22 =	vshrl.u32 v22, $0xE;
	v46 =	vmul.f32 v57, v25;
	[tilespmem:v52+s17+$0x0] =	vst.idx.add.f32.msk $0xffff, v47  }
0x209: {  	v59 =	vadd.s32 $0x2710, v22;
	v58 =	vand.u32 $0xFFFF0000, v51;
	v3 =	vld.idx.msk [tilespmem:v3+s16+$0x0], $0xffff  }
0x20a: {  	v1 =	vadd.s32 $0x2710, v1;
	v50 =	vmul.f32 v58, v25;
	v60 =	vshll.u32 v45, $0x10;
	[tilespmem:v27+s17+$0x0] =	vst.idx.add.f32.msk $0xffff, v46  }
0x20b: {  	v61 =	vadd.s32 $0x4E20, v42;
	v45 =	vand.u32 $0xFFFF0000, v45;
	v48 =	vmul.f32 v60, v24;
	v2 =	vld.idx.msk [tilespmem:v2+s16+$0x0], $0xffff  }
0x20c: {  	v42 =	vadd.s32 $0x7530, v42;
	v45 =	vmul.f32 v45, v24;
	[tilespmem:v56+s17+$0x0] =	vst.idx.add.f32.msk $0xffff, v50  }
0x20d: {  	v58 =	vadd.s32 $0x7530, v38;
	v62 =	vshll.u32 v43, $0x10;
	v63 =	vadd.s32 $0x4E20, v41;
	[tilespmem:v22+s17+$0x0] =	vst.idx.add.f32.msk $0xffff, v48  }
0x20e: {  	v54 =	vadd.s32 $0x4E20, v39;
	v43 =	vand.u32 $0xFFFF0000, v43;
	v48 =	vmul.f32 v62, v30;
	[tilespmem:v59+s17+$0x0] =	vst.idx.add.f32.msk $0xffff, v45  }
0x20f: {  	v41 =	vadd.s32 $0x7530, v41;
	v50 =	vshll.u32 v44, $0x10;
	v30 =	vmul.f32 v43, v30;
	v1 =	vld.idx.msk [tilespmem:v1+s16+$0x0], $0xffff  }
0x210: {  	v55 =	vadd.s32 $0x7530, v39;
	v56 =	vshll.u32 v11, $0x10;
	v45 =	vmul.f32 v50, v28;
	[tilespmem:v61+s17+$0x0] =	vst.idx.add.f32.msk $0xffff, v48  }
0x211: {  	v51 =	vadd.s32 $0x4E20, v40;
	v52 =	vand.u32 $0xFFFF0000, v44;
	v39 =	vmul.f32 v56, v16;
	[tilespmem:v42+s17+$0x0] =	vst.idx.add.f32.msk $0xffff, v30  }
0x212: {  	v57 =	vadd.s32 $0x4E20, v38;
	v11 =	vand.u32 $0xFFFF0000, v11;
	v28 =	vmul.f32 v52, v28;
	[tilespmem:v63+s17+$0x0] =	vst.idx.add.f32.msk $0xffff, v45  }
0x213: {  	v53 =	vshll.u32 v21, $0x10;
	v60 =	vadd.s32 $0x4E20, v35;
	v11 =	vmul.f32 v11, v16;
	[tilespmem:v54+s17+$0x0] =	vst.idx.add.f32.msk $0xffff, v39  }
0x214: {  	v40 =	vadd.s32 $0x7530, v40;
	v59 =	vshll.u32 v9, $0x10;
	v42 =	vmul.f32 v53, v26;
	[tilespmem:v41+s17+$0x0] =	vst.idx.add.f32.msk $0xffff, v28  }
0x215: {  	v21 =	vand.u32 $0xFFFF0000, v21;
	v62 =	vshll.u32 v8, $0x10;
	v30 =	vmul.f32 v59, v14;
	[tilespmem:v55+s17+$0x0] =	vst.idx.add.f32.msk $0xffff, v11  }
0x216: {  	v21 =	vmul.f32 v21, v26;
	v61 =	vadd.s32 $0x7530, v35;
	v26 =	vmul.f32 v62, v13;
	[tilespmem:v51+s17+$0x0] =	vst.idx.add.f32.msk $0xffff, v42  }
0x217: {  	v38 =	vadd.s32 $0x4E20, v37;
	v46 =	vadd.s32 $0x4E20, v29;
	v9 =	vand.u32 $0xFFFF0000, v9;
	[tilespmem:v57+s17+$0x0] =	vst.idx.add.f32.msk $0xffff, v30  }
0x218: {  	v8 =	vand.u32 $0xFFFF0000, v8;
	v9 =	vmul.f32 v9, v14;
	v63 =	vadd.s32 $0x4E20, v32;
	[tilespmem:v60+s17+$0x0] =	vst.idx.add.f32.msk $0xffff, v26  }
0x219: {  	v49 =	vshll.u32 v4, $0x10;
	v8 =	vmul.f32 v8, v13;
	v48 =	vadd.s32 $0x7530, v29;
	[tilespmem:v40+s17+$0x0] =	vst.idx.add.f32.msk $0xffff, v21  }
0x21a: {  	v28 =	vadd.s32 $0x7530, v32;
	v30 =	vshll.u32 v7, $0x10;
	v51 =	vmul.f32 v49, v19;
	[tilespmem:v58+s17+$0x0] =	vst.idx.add.f32.msk $0xffff, v9  }
0x21b: {  	v4 =	vand.u32 $0xFFFF0000, v4;
	v32 =	vadd.s32 $0x4E20, v36;
	v16 =	vmul.f32 v30, v12;
	[tilespmem:v61+s17+$0x0] =	vst.idx.add.f32.msk $0xffff, v8  }
0x21c: {  	v4 =	vmul.f32 v4, v19;
	v35 =	vadd.s32 $0x7530, v36;
	v7 =	vand.u32 $0xFFFF0000, v7;
	[tilespmem:v46+s17+$0x0] =	vst.idx.add.f32.msk $0xffff, v51  }
0x21d: {  	v36 =	vshll.u32 v0, $0x10;
	v41 =	vadd.s32 $0x4E20, v31;
	v7 =	vmul.f32 v7, v12;
	[tilespmem:v63+s17+$0x0] =	vst.idx.add.f32.msk $0xffff, v16  }
0x21e: {  	v50 =	vadd.s32 $0x4E20, v33;
	v11 =	vmul.f32 v36, v17;
	v40 =	vshll.u32 v6, $0x10;
	[tilespmem:v48+s17+$0x0] =	vst.idx.add.f32.msk $0xffff, v4  }
0x21f: {  	v44 =	vshll.u32 v5, $0x10;
	v42 =	vmul.f32 v40, v18;
	[tilespmem:v28+s17+$0x0] =	vst.idx.add.f32.msk $0xffff, v7  }
0x220: {  	v47 =	vadd.s32 $0x2710, v10;
	v45 =	vmul.f32 v44, v15;
	v54 =	vshll.u32 v3, $0x10;
	[tilespmem:v32+s17+$0x0] =	vst.idx.add.f32.msk $0xffff, v11  }
0x221: {  	v56 =	vadd.s32 $0x4E20, v27;
	v0 =	vand.u32 $0xFFFF0000, v0;
	v8 =	vmul.f32 v54, v20;
	[tilespmem:v38+s17+$0x0] =	vst.idx.add.f32.msk $0xffff, v42  }
0x222: {  	v39 =	vadd.s32 $0x7530, v37;
	v0 =	vmul.f32 v0, v17;
	[tilespmem:v41+s17+$0x0] =	vst.idx.add.f32.msk $0xffff, v45  }
0x223: {  	v43 =	vadd.s32 $0x7530, v31;
	v60 =	vshll.u32 v1, $0x10;
	[tilespmem:v50+s17+$0x0] =	vst.idx.add.f32.msk $0xffff, v8  }
0x224: {  	v52 =	vadd.s32 $0x7530, v33;
	v6 =	vand.u32 $0xFFFF0000, v6;
	v62 =	vmul.f32 v60, v25;
	[tilespmem:v35+s17+$0x0] =	vst.idx.add.f32.msk $0xffff, v0  }
0x225: {  	v5 =	vand.u32 $0xFFFF0000, v5;
	v53 =	vadd.s32 $0x4E20, v34;
	v6 =	vmul.f32 v6, v18;
	v0 =	vld.idx.msk [tilespmem:v47+s16+$0x0], $0xffff  }
0x226: {  	v5 =	vmul.f32 v5, v15;
	v3 =	vand.u32 $0xFFFF0000, v3;
	v55 =	vadd.s32 $0x7530, v34;
	[tilespmem:v56+s17+$0x0] =	vst.idx.add.f32.msk $0xffff, v62  }
0x227: {  	v3 =	vmul.f32 v3, v20;
	v57 =	vshll.u32 v2, $0x10;
	v58 =	vadd.s32 $0x7530, v27;
	[tilespmem:v39+s17+$0x0] =	vst.idx.add.f32.msk $0xffff, v6  }
0x228: {  	v59 =	vadd.s32 $0x4E20, v22;
	v2 =	vand.u32 $0xFFFF0000, v2;
	[tilespmem:v43+s17+$0x0] =	vst.idx.add.f32.msk $0xffff, v5;
	v6 =	vmul.f32 v57, v23  }
0x229: {  	v2 =	vmul.f32 v2, v23;
	v1 =	vand.u32 $0xFFFF0000, v1;
	v61 =	vadd.s32 $0x7530, v22;
	[tilespmem:v52+s17+$0x0] =	vst.idx.add.f32.msk $0xffff, v3  }
0x22a: {  	v1 =	vmul.f32 v1, v25;
	[tilespmem:v53+s17+$0x0] =	vst.idx.add.f32.msk $0xffff, v6;
	v63 =	vshll.u32 v0, $0x10  }
0x22b: {  	[tilespmem:v55+s17+$0x0] =	vst.idx.add.f32.msk $0xffff, v2;
	v0 =	vand.u32 $0xFFFF0000, v0;
	v2 =	vmul.f32 v63, v24  }
0x22c: {  	[tilespmem:v58+s17+$0x0] =	vst.idx.add.f32.msk $0xffff, v1;
	v0 =	vmul.f32 v0, v24  }
0x22d: {  	[tilespmem:v59+s17+$0x0] =	vst.idx.add.f32.msk $0xffff, v2  }
0x22e: {  	s22 =	simm.s32 $0x0;
	s23 =	simm.s32 $0x17A80;
	[tilespmem:v61+s17+$0x0] =	vst.idx.add.f32.msk $0xffff, v0  }
.LBB2_12:
0x22f: {  	v0 =	vld [tilespmem:s23+$0x70]  }
0x230: {  	v1 =	vld [tilespmem:s23+$0xFFFFFF90]  }
0x231: {  	v2 =	vld [tilespmem:s23+$0xFFFFFFA0]  }
0x232: {  	v3 =	vld [tilespmem:s23+$0xFFFFFFB0]  }
0x233: {  	v4 =	vld [tilespmem:s23+$0xFFFFFFC0]  }
0x234: {  	v5 =	vld [tilespmem:s23+$0xFFFFFFD0]  }
0x235: {  	v7 =	vld [tilespmem:s23+$0xFFFFFFE0]  }
0x236: {  	v50 =	vld [tilespmem:s23+$0xFFFFFFF0]  }
0x237: {  	v60 =	vld [tilespmem:s23+$0x0];
	v46 =	vshrl.u32 v1, $0xE  }
0x238: {  	v61 =	vld [tilespmem:s23+$0x10];
	v49 =	vshrl.u32 v2, $0xE;
	v8 =	vadd.s32 $0x2710, v46  }
0x239: {  	v21 =	vld [tilespmem:s23+$0x30];
	v53 =	vshrl.u32 v3, $0xE;
	v9 =	vadd.s32 $0x2710, v49;
	[tilespmem:$0x1FA80] =	vst v8  }
0x23a: {  	v63 =	vld [tilespmem:s23+$0x20];
	v58 =	vshrl.u32 v4, $0xE;
	v10 =	vadd.s32 $0x2710, v53;
	[tilespmem:$0x1FA90] =	vst v9  }
0x23b: {  	v22 =	vld [tilespmem:s23+$0x40];
	v6 =	vand.u32 $0x3FFF, v0;
	v57 =	vshrl.u32 v5, $0xE;
	v11 =	vadd.s32 $0x2710, v58;
	[tilespmem:$0x1FAA0] =	vst v10  }
0x23c: {  	v23 =	vld [tilespmem:s23+$0x50];
	v1 =	vand.u32 $0x3FFF, v1;
	v55 =	vshrl.u32 v7, $0xE;
	v12 =	vadd.s32 $0x2710, v57;
	[tilespmem:$0x1FAB0] =	vst v11  }
0x23d: {  	v28 =	vld [tilespmem:s23+$0x60];
	v2 =	vand.u32 $0x3FFF, v2;
	v52 =	vshrl.u32 v50, $0xE;
	v13 =	vadd.s32 $0x2710, v55;
	[tilespmem:$0x1FAC0] =	vst v12  }
0x23e: {  	s21 =	sadd.s32 $0x100, s21;
	v31 =	vld [tilespmem:s23+$0xFFFFFF80];
	v3 =	vand.u32 $0x3FFF, v3;
	v33 =	vand.u32 $0x3FFF, v21;
	v16 =	vadd.s32 $0x2710, v52;
	[tilespmem:$0x1FAD0] =	vst v13  }
0x23f: {  	v29 =	vld [tilespmem:s21+$0x70];
	v4 =	vand.u32 $0x3FFF, v4;
	v51 =	vshrl.u32 v60, $0xE;
	[tilespmem:$0x1FAE0] =	vst v16;
	v13 =	vadd.s32 $0x2710, v33  }
0x240: {  	v7 =	vand.u32 $0x3FFF, v7;
	v43 =	vshrl.u32 v21, $0xE;
	v17 =	vadd.s32 $0x2710, v51;
	[tilespmem:$0x1FC10] =	vst v13;
	v13 =	vld [tilespmem:s21+$0xFFFFFFC0]  }
0x241: {  	v30 =	vand.u32 $0x3FFF, v63;
	v42 =	vshrl.u32 v22, $0xE;
	v21 =	vadd.s32 $0x2710, v43;
	[tilespmem:$0x1FAF0] =	vst v17;
	v62 =	vld.idx.msk [tilespmem:v6+s16+$0x0], $0xffff  }
0x242: {  	v34 =	vand.u32 $0x3FFF, v22;
	v40 =	vshrl.u32 v28, $0xE;
	v22 =	vadd.s32 $0x2710, v42;
	[tilespmem:$0x1FB20] =	vst v21;
	v32 =	vld.idx.msk [tilespmem:v1+s16+$0x0], $0xffff  }
0x243: {  	v5 =	vand.u32 $0x3FFF, v5;
	v25 =	vadd.s32 $0x2710, v40;
	v37 =	vadd.s32 $0x2710, v30;
	[tilespmem:$0x1FB30] =	vst v22;
	v35 =	vld.idx.msk [tilespmem:v2+s16+$0x0], $0xffff  }
0x244: {  	v8 =	vand.u32 $0x3FFF, v50;
	v9 =	vand.u32 $0x3FFF, v60;
	v50 =	vshrl.u32 v61, $0xE;
	[tilespmem:$0x1FB50] =	vst v25;
	v39 =	vld.idx.msk [tilespmem:v3+s16+$0x0], $0xffff  }
0x245: {  	v41 =	vshrl.u32 v23, $0xE;
	v10 =	vand.u32 $0x3FFF, v61;
	[tilespmem:$0x1FC00] =	vst v37;
	v18 =	vadd.s32 $0x2710, v50;
	v26 =	vld.idx.msk [tilespmem:v4+s16+$0x0], $0xffff  }
0x246: {  	v0 =	vshrl.u32 v0, $0xE;
	v12 =	vand.u32 $0x3FFF, v23;
	v23 =	vadd.s32 $0x2710, v41;
	[tilespmem:$0x1FB00] =	vst v18;
	v18 =	vld.idx.msk [tilespmem:v7+s16+$0x0], $0xffff  }
0x247: {  	v45 =	vshrl.u32 v63, $0xE;
	v17 =	vadd.s32 $0x2710, v5;
	[tilespmem:$0x1FB40] =	vst v23;
	v36 =	vld.idx.msk [tilespmem:v30+s16+$0x0], $0xffff  }
0x248: {  	v27 =	vadd.s32 $0x2710, v0;
	v37 =	vadd.s32 $0x7530, v53;
	[tilespmem:$0x1FBB0] =	vst v17;
	v17 =	vld.idx.msk [tilespmem:v34+s16+$0x0], $0xffff;
	v20 =	vshll.u32 v62, $0x10  }
0x249: {  	[tilespmem:$0x1FCB0] =	vst v37;
	v6 =	vadd.s32 $0x2710, v6;
	v44 =	vld.idx.msk [tilespmem:v9+s16+$0x0], $0xffff;
	v19 =	vmul.f32 v20, v29;
	v20 =	vadd.s32 $0x2710, v45  }
0x24a: {  	v38 =	vadd.s32 $0x4E20, v0;
	v23 =	vld.idx.msk [tilespmem:v10+s16+$0x0], $0xffff;
	v11 =	vand.u32 $0xFFFF0000, v62;
	[tilespmem:$0x1FB10] =	vst v20  }
0x24b: {  	v22 =	vadd.s32 $0x2710, v9;
	v11 =	vmul.f32 v11, v29;
	v20 =	vadd.s32 $0x2710, v8;
	[tilespmem:v0+s17+$0x0] =	vst.idx.add.f32.msk $0xffff, v19  }
0x24c: {  	v47 =	vshll.u32 v32, $0x10;
	v16 =	vand.u32 $0xFFFF0000, v32;
	v32 =	vld.idx.msk [tilespmem:v5+s16+$0x0], $0xffff;
	v15 =	vshll.u32 v26, $0x10;
	[tilespmem:$0x1FBD0] =	vst v20  }
0x24d: {  	v1 =	vadd.s32 $0x2710, v1;
	v2 =	vadd.s32 $0x2710, v2;
	v20 =	vmul.f32 v15, v13;
	[tilespmem:v27+s17+$0x0] =	vst.idx.add.f32.msk $0xffff, v11  }
0x24e: {  	[tilespmem:$0x1FBE0] =	vst v22;
	v11 =	vand.u32 $0x3FFF, v28;
	v27 =	vshrl.u32 v31, $0xE;
	v31 =	vand.u32 $0x3FFF, v31;
	v6 =	vld.idx.msk [tilespmem:v6+s16+$0x0], $0xffff  }
0x24f: {  	v7 =	vadd.s32 $0x2710, v7;
	v62 =	vshll.u32 v35, $0x10;
	v25 =	vadd.s32 $0x2710, v11;
	[tilespmem:v58+s17+$0x0] =	vst.idx.add.f32.msk $0xffff, v20  }
0x250: {  	v63 =	vand.u32 $0xFFFF0000, v35;
	v54 =	vand.u32 $0xFFFF0000, v26;
	v8 =	vld.idx.msk [tilespmem:v8+s16+$0x0], $0xffff;
	v26 =	vadd.s32 $0x7530, v27;
	[tilespmem:$0x1FC30] =	vst v25  }
0x251: {  	v48 =	vshll.u32 v39, $0x10;
	[tilespmem:$0x1FC50] =	vst v26;
	v25 =	vshll.u32 v17, $0x10;
	v26 =	vand.u32 $0xFFFF0000, v17;
	v17 =	vld [tilespmem:s21+$0xFFFFFFD0]  }
0x252: {  	[tilespmem:$0x1FB70] =	vst v1;
	v56 =	vand.u32 $0xFFFF0000, v18;
	v35 =	vadd.s32 $0x2710, v10;
	v28 =	vadd.s32 $0x2710, v3;
	v20 =	vld [tilespmem:$0x1FB50]  }
0x253: {  	v0 =	vadd.s32 $0x7530, v0;
	[tilespmem:$0x1FB90] =	vst v28;
	v28 =	vshll.u32 v18, $0x10;
	v19 =	vld.idx.msk [tilespmem:v31+s16+$0x0], $0xffff;
	v21 =	vshll.u32 v6, $0x10  }
0x254: {  	[tilespmem:$0x1FBC0] =	vst v7;
	v18 =	vadd.s32 $0x4E20, v27;
	v10 =	vld.idx.msk [tilespmem:v11+s16+$0x0], $0xffff;
	v6 =	vand.u32 $0xFFFF0000, v6;
	v7 =	vmul.f32 v21, v29  }
0x255: {  	[tilespmem:$0x1FB80] =	vst v2;
	v11 =	vld [tilespmem:s21+$0xFFFFFFA0];
	v6 =	vmul.f32 v6, v29;
	v29 =	vand.u32 $0xFFFF0000, v39;
	v39 =	vshll.u32 v32, $0x10  }
0x256: {  	[tilespmem:$0x1FC40] =	vst v18;
	v18 =	vmul.f32 v39, v17;
	v39 =	vld [tilespmem:s21+$0x20]  }
0x257: {  	v4 =	vadd.s32 $0x2710, v4;
	[tilespmem:v38+s17+$0x0] =	vst.idx.add.f32.msk $0xffff, v7  }
0x258: {  	[tilespmem:$0x1FBA0] =	vst v4;
	v38 =	vld.idx.msk [tilespmem:v33+s16+$0x0], $0xffff  }
0x259: {  	v4 =	vadd.s32 $0x7530, v58;
	[tilespmem:$0x1FBF0] =	vst v35;
	v35 =	vadd.s32 $0x7530, v49;
	v7 =	vld [tilespmem:s21+$0xFFFFFF90]  }
0x25a: {  	v61 =	vand.u32 $0xFFFF0000, v44;
	v24 =	vadd.s32 $0x2710, v31;
	v14 =	vand.u32 $0xFFFF0000, v32;
	[tilespmem:v0+s17+$0x0] =	vst.idx.add.f32.msk $0xffff, v6  }
0x25b: {  	[tilespmem:$0x1FB60] =	vst v24;
	v31 =	vadd.s32 $0x4E20, v46;
	v9 =	vshll.u32 v19, $0x10;
	v5 =	vand.u32 $0xFFFF0000, v19;
	v19 =	vld.idx.msk [tilespmem:v12+s16+$0x0], $0xffff  }
0x25c: {  	v24 =	vadd.s32 $0x2710, v12;
	v30 =	vshll.u32 v8, $0x10;
	[tilespmem:$0x1FC60] =	vst v31;
	v32 =	vadd.s32 $0x7530, v46;
	v6 =	vld [tilespmem:s21+$0xFFFFFF80]  }
0x25d: {  	[tilespmem:$0x1FC70] =	vst v32;
	v33 =	vshll.u32 v44, $0x10;
	v44 =	vadd.s32 $0x2710, v34;
	v34 =	vadd.s32 $0x4E20, v49;
	v12 =	vld [tilespmem:s21+$0xFFFFFFB0]  }
0x25e: {  	v60 =	vand.u32 $0xFFFF0000, v8;
	v8 =	vadd.s32 $0x7530, v57;
	[tilespmem:$0x1FC80] =	vst v34;
	v2 =	vmul.f32 v63, v11;
	v63 =	vld [tilespmem:s21+$0x0]  }
0x25f: {  	v31 =	vand.u32 $0xFFFF0000, v36;
	v32 =	vand.u32 $0xFFFF0000, v23;
	v34 =	vshll.u32 v23, $0x10;
	[tilespmem:v57+s17+$0x0] =	vst.idx.add.f32.msk $0xffff, v18  }
0x260: {  	[tilespmem:$0x1FC20] =	vst v24;
	v23 =	vshll.u32 v36, $0x10;
	v36 =	vadd.s32 $0x4E20, v53;
	v22 =	vshll.u32 v10, $0x10;
	v18 =	vld [tilespmem:$0x1FB40]  }
0x261: {  	[tilespmem:$0x1FCA0] =	vst v36;
	v24 =	vshll.u32 v38, $0x10;
	v36 =	vand.u32 $0xFFFF0000, v38;
	v38 =	vadd.s32 $0x4E20, v58;
	v58 =	vld [tilespmem:$0x1FB00]  }
0x262: {  	[tilespmem:$0x1FC90] =	vst v35;
	v1 =	vmul.f32 v16, v7;
	v21 =	vshll.u32 v19, $0x10;
	v37 =	vand.u32 $0xFFFF0000, v19;
	v19 =	vld [tilespmem:s21+$0xFFFFFFE0]  }
0x263: {  	[tilespmem:$0x1FCC0] =	vst v38;
	v35 =	vmul.f32 v9, v6;
	v38 =	vand.u32 $0xFFFF0000, v10;
	v10 =	vmul.f32 v62, v11;
	v62 =	vld [tilespmem:s21+$0xFFFFFFF0]  }
0x264: {  	[tilespmem:$0x1FCF0] =	vst v8;
	v16 =	vadd.s32 $0x7530, v55;
	v9 =	vmul.f32 v48, v12;
	v48 =	vmul.f32 v29, v12;
	v29 =	vld [tilespmem:s21+$0x10]  }
0x265: {  	v8 =	vadd.s32 $0x7530, v52;
	[tilespmem:$0x1FD10] =	vst v16;
	v16 =	vld [tilespmem:s21+$0x30]  }
0x266: {  	[tilespmem:$0x1FD30] =	vst v8;
	v23 =	vmul.f32 v23, v39;
	v8 =	vmul.f32 v33, v63;
	v33 =	vld [tilespmem:s21+$0x50]  }
0x267: {  	v0 =	vmul.f32 v5, v6;
	v5 =	vadd.s32 $0x4E20, v57;
	v57 =	vld [tilespmem:$0x1FAF0]  }
0x268: {  	v47 =	vmul.f32 v47, v7;
	[tilespmem:v45+s17+$0x0] =	vst.idx.add.f32.msk $0xffff, v23  }
0x269: {  	v23 =	vld [tilespmem:$0x1FB70]  }
0x26a: {  	[tilespmem:v46+s17+$0x0] =	vst.idx.add.f32.msk $0xffff, v47  }
0x26b: {  	[tilespmem:v27+s17+$0x0] =	vst.idx.add.f32.msk $0xffff, v35  }
0x26c: {  	[tilespmem:v49+s17+$0x0] =	vst.idx.add.f32.msk $0xffff, v10  }
0x26d: {  	v59 =	vadd.s32 $0x2710, v27;
	v27 =	vld [tilespmem:$0x1FA90]  }
0x26e: {  	[tilespmem:v53+s17+$0x0] =	vst.idx.add.f32.msk $0xffff, v9  }
0x26f: {  	v53 =	vld [tilespmem:$0x1FAA0]  }
0x270: {  	[tilespmem:v51+s17+$0x0] =	vst.idx.add.f32.msk $0xffff, v8  }
0x271: {  	v8 =	vld [tilespmem:$0x1FB10]  }
0x272: {  	v3 =	vmul.f32 v61, v63;
	[tilespmem:v59+s17+$0x0] =	vst.idx.add.f32.msk $0xffff, v0  }
0x273: {  	[tilespmem:$0x1FCD0] =	vst v4;
	v15 =	vadd.s32 $0x4E20, v55;
	v0 =	vmul.f32 v31, v39;
	v4 =	vmul.f32 v34, v29;
	v34 =	vld [tilespmem:s21+$0x60]  }
0x274: {  	[tilespmem:$0x1FD00] =	vst v15;
	v61 =	vadd.s32 $0x7530, v51;
	v15 =	vmul.f32 v28, v19;
	v31 =	vmul.f32 v24, v16;
	v24 =	vld [tilespmem:$0x1FA80]  }
0x275: {  	[tilespmem:$0x1FCE0] =	vst v5;
	v28 =	vadd.s32 $0x4E20, v52;
	v5 =	vmul.f32 v60, v62;
	v60 =	vadd.s32 $0x4E20, v51;
	v51 =	vld [tilespmem:$0x1FC00]  }
0x276: {  	[tilespmem:$0x1FD20] =	vst v28;
	v28 =	vld [tilespmem:s21+$0x40]  }
0x277: {  	v30 =	vmul.f32 v30, v62;
	[tilespmem:v55+s17+$0x0] =	vst.idx.add.f32.msk $0xffff, v15  }
0x278: {  	v55 =	vld [tilespmem:$0x1FAD0]  }
0x279: {  	[tilespmem:v52+s17+$0x0] =	vst.idx.add.f32.msk $0xffff, v30  }
0x27a: {  	[tilespmem:v50+s17+$0x0] =	vst.idx.add.f32.msk $0xffff, v4  }
0x27b: {  	[tilespmem:v43+s17+$0x0] =	vst.idx.add.f32.msk $0xffff, v31  }
0x27c: {  	v15 =	vld [tilespmem:$0x1FB30]  }
0x27d: {  	v30 =	vld [tilespmem:$0x1FB90]  }
0x27e: {  	v32 =	vmul.f32 v32, v29;
	v31 =	vld [tilespmem:$0x1FBA0]  }
0x27f: {  	[tilespmem:v57+s17+$0x0] =	vst.idx.add.f32.msk $0xffff, v3  }
0x280: {  	[tilespmem:v58+s17+$0x0] =	vst.idx.add.f32.msk $0xffff, v32  }
0x281: {  	v32 =	vld [tilespmem:$0x1FBB0]  }
0x282: {  	v57 =	vld [tilespmem:$0x1FC40]  }
0x283: {  	v58 =	vld [tilespmem:$0x1FC50]  }
0x284: {  	[tilespmem:v27+s17+$0x0] =	vst.idx.add.f32.msk $0xffff, v2  }
0x285: {  	[tilespmem:v53+s17+$0x0] =	vst.idx.add.f32.msk $0xffff, v48  }
0x286: {  	v53 =	vld [tilespmem:$0x1FAB0]  }
0x287: {  	[tilespmem:v8+s17+$0x0] =	vst.idx.add.f32.msk $0xffff, v0  }
0x288: {  	v49 =	vadd.s32 $0x4E20, v43;
	v27 =	vadd.s32 $0x7530, v43;
	v43 =	vld [tilespmem:$0x1FBE0];
	v47 =	vmul.f32 v25, v28  }
0x289: {  	[tilespmem:v24+s17+$0x0] =	vst.idx.add.f32.msk $0xffff, v1  }
0x28a: {  	v56 =	vmul.f32 v56, v19;
	[tilespmem:v42+s17+$0x0] =	vst.idx.add.f32.msk $0xffff, v47  }
0x28b: {  	v47 =	vld [tilespmem:$0x1FBF0]  }
0x28c: {  	v26 =	vmul.f32 v26, v28;
	[tilespmem:v55+s17+$0x0] =	vst.idx.add.f32.msk $0xffff, v56  }
0x28d: {  	v1 =	vmul.f32 v21, v33;
	v56 =	vld [tilespmem:$0x1FAE0]  }
0x28e: {  	v21 =	vmul.f32 v22, v34;
	[tilespmem:v15+s17+$0x0] =	vst.idx.add.f32.msk $0xffff, v26  }
0x28f: {  	[tilespmem:v41+s17+$0x0] =	vst.idx.add.f32.msk $0xffff, v1  }
0x290: {  	[tilespmem:v40+s17+$0x0] =	vst.idx.add.f32.msk $0xffff, v21  }
0x291: {  	v21 =	vld [tilespmem:$0x1FB60]  }
0x292: {  	v1 =	vld.idx.msk [tilespmem:v23+s16+$0x0], $0xffff  }
0x293: {  	v26 =	vld [tilespmem:$0x1FB80]  }
0x294: {  	v9 =	vadd.s32 $0x7530, v41;
	v3 =	vld.idx.msk [tilespmem:v30+s16+$0x0], $0xffff  }
0x295: {  	v37 =	vmul.f32 v37, v33;
	v2 =	vmul.f32 v38, v34;
	v38 =	vadd.s32 $0x4E20, v41;
	v41 =	vld [tilespmem:$0x1FBD0]  }
0x296: {  	v55 =	vld [tilespmem:$0x1FC20]  }
0x297: {  	[tilespmem:v18+s17+$0x0] =	vst.idx.add.f32.msk $0xffff, v37  }
0x298: {  	v54 =	vmul.f32 v54, v13;
	[tilespmem:v20+s17+$0x0] =	vst.idx.add.f32.msk $0xffff, v2  }
0x299: {  	v37 =	vld [tilespmem:$0x1FBC0]  }
0x29a: {  	[tilespmem:v53+s17+$0x0] =	vst.idx.add.f32.msk $0xffff, v54  }
0x29b: {  	v54 =	vld [tilespmem:$0x1FAC0]  }
0x29c: {  	v20 =	vld.idx.msk [tilespmem:v43+s16+$0x0], $0xffff  }
0x29d: {  	v53 =	vld [tilespmem:$0x1FC10]  }
0x29e: {  	v4 =	vld.idx.msk [tilespmem:v31+s16+$0x0], $0xffff  }
0x29f: {  	v23 =	vld.idx.msk [tilespmem:v47+s16+$0x0], $0xffff  }
0x2a0: {  	[tilespmem:v56+s17+$0x0] =	vst.idx.add.f32.msk $0xffff, v5  }
0x2a1: {  	v0 =	vld.idx.msk [tilespmem:v21+s16+$0x0], $0xffff  }
0x2a2: {  	v2 =	vld.idx.msk [tilespmem:v26+s16+$0x0], $0xffff  }
0x2a3: {  	v26 =	vld.idx.msk [tilespmem:v51+s16+$0x0], $0xffff  }
0x2a4: {  	v14 =	vmul.f32 v14, v17;
	v56 =	vld [tilespmem:$0x1FC30]  }
0x2a5: {  	v18 =	vld.idx.msk [tilespmem:v41+s16+$0x0], $0xffff  }
0x2a6: {  	[tilespmem:v54+s17+$0x0] =	vst.idx.add.f32.msk $0xffff, v14  }
0x2a7: {  	v14 =	vld [tilespmem:$0x1FB20]  }
0x2a8: {  	v35 =	vadd.s32 $0x4E20, v50;
	v59 =	vadd.s32 $0x7530, v50;
	v41 =	vld [tilespmem:$0x1FCD0]  }
0x2a9: {  	v48 =	vadd.s32 $0x7530, v40;
	v22 =	vadd.s32 $0x4E20, v40;
	v40 =	vshll.u32 v1, $0x10;
	v54 =	vld.idx.msk [tilespmem:v44+s16+$0x0], $0xffff  }
0x2aa: {  	v1 =	vand.u32 $0xFFFF0000, v1;
	v15 =	vmul.f32 v40, v7;
	v50 =	vshll.u32 v4, $0x10;
	v44 =	vld [tilespmem:$0x1FC60]  }
0x2ab: {  	v1 =	vmul.f32 v1, v7;
	v7 =	vmul.f32 v50, v13;
	v50 =	vld [tilespmem:$0x1FC70]  }
0x2ac: {  	v5 =	vld.idx.msk [tilespmem:v32+s16+$0x0], $0xffff  }
0x2ad: {  	v36 =	vmul.f32 v36, v16;
	v40 =	vld.idx.msk [tilespmem:v56+s16+$0x0], $0xffff  }
0x2ae: {  	v56 =	vld [tilespmem:$0x1FC90]  }
0x2af: {  	v24 =	vadd.s32 $0x4E20, v42;
	[tilespmem:v14+s17+$0x0] =	vst.idx.add.f32.msk $0xffff, v36  }
0x2b0: {  	v14 =	vld.idx.msk [tilespmem:v37+s16+$0x0], $0xffff  }
0x2b1: {  	v51 =	vshll.u32 v54, $0x10;
	v37 =	vld.idx.msk [tilespmem:v55+s16+$0x0], $0xffff  }
0x2b2: {  	v51 =	vmul.f32 v51, v28;
	[tilespmem:v44+s17+$0x0] =	vst.idx.add.f32.msk $0xffff, v15  }
0x2b3: {  	v44 =	vld [tilespmem:$0x1FCE0]  }
0x2b4: {  	[tilespmem:v24+s17+$0x0] =	vst.idx.add.f32.msk $0xffff, v51  }
0x2b5: {  	v10 =	vadd.s32 $0x7530, v42;
	v31 =	vld.idx.msk [tilespmem:v53+s16+$0x0], $0xffff  }
0x2b6: {  	v52 =	vshll.u32 v5, $0x10;
	v36 =	vshll.u32 v0, $0x10;
	[tilespmem:v50+s17+$0x0] =	vst.idx.add.f32.msk $0xffff, v1  }
0x2b7: {  	v15 =	vmul.f32 v52, v17;
	v52 =	vand.u32 $0xFFFF0000, v54;
	v8 =	vmul.f32 v36, v6;
	v53 =	vld [tilespmem:$0x1FC80]  }
0x2b8: {  	v46 =	vadd.s32 $0x4E20, v45;
	v0 =	vand.u32 $0xFFFF0000, v0;
	v50 =	vld [tilespmem:$0x1FCF0];
	v52 =	vmul.f32 v52, v28  }
0x2b9: {  	v25 =	vadd.s32 $0x7530, v45;
	v42 =	vshll.u32 v2, $0x10;
	v0 =	vmul.f32 v0, v6;
	[tilespmem:v57+s17+$0x0] =	vst.idx.add.f32.msk $0xffff, v8  }
0x2ba: {  	v6 =	vmul.f32 v42, v11;
	v42 =	vshll.u32 v26, $0x10;
	[tilespmem:v10+s17+$0x0] =	vst.idx.add.f32.msk $0xffff, v52  }
0x2bb: {  	v43 =	vand.u32 $0xFFFF0000, v26;
	v42 =	vmul.f32 v42, v39;
	[tilespmem:v58+s17+$0x0] =	vst.idx.add.f32.msk $0xffff, v0  }
0x2bc: {  	v43 =	vmul.f32 v43, v39;
	v57 =	vshll.u32 v40, $0x10;
	v58 =	vld [tilespmem:$0x1FCA0]  }
0x2bd: {  	v8 =	vshll.u32 v23, $0x10;
	v57 =	vmul.f32 v57, v34;
	[tilespmem:v46+s17+$0x0] =	vst.idx.add.f32.msk $0xffff, v42  }
0x2be: {  	v54 =	vshll.u32 v37, $0x10;
	v55 =	vand.u32 $0xFFFF0000, v37;
	v37 =	vmul.f32 v8, v29;
	[tilespmem:v25+s17+$0x0] =	vst.idx.add.f32.msk $0xffff, v43  }
0x2bf: {  	[tilespmem:v22+s17+$0x0] =	vst.idx.add.f32.msk $0xffff, v57  }
0x2c0: {  	v54 =	vmul.f32 v54, v33;
	[tilespmem:v35+s17+$0x0] =	vst.idx.add.f32.msk $0xffff, v37  }
0x2c1: {  	v5 =	vand.u32 $0xFFFF0000, v5;
	[tilespmem:v44+s17+$0x0] =	vst.idx.add.f32.msk $0xffff, v15  }
0x2c2: {  	v45 =	vshll.u32 v3, $0x10;
	v1 =	vmul.f32 v5, v17;
	[tilespmem:v38+s17+$0x0] =	vst.idx.add.f32.msk $0xffff, v54  }
0x2c3: {  	v21 =	vmul.f32 v45, v12;
	v45 =	vshll.u32 v31, $0x10;
	[tilespmem:v53+s17+$0x0] =	vst.idx.add.f32.msk $0xffff, v6  }
0x2c4: {  	v45 =	vmul.f32 v45, v16;
	[tilespmem:v50+s17+$0x0] =	vst.idx.add.f32.msk $0xffff, v1  }
0x2c5: {  	v2 =	vand.u32 $0xFFFF0000, v2;
	v53 =	vld [tilespmem:$0x1FD00]  }
0x2c6: {  	v2 =	vmul.f32 v2, v11;
	[tilespmem:v49+s17+$0x0] =	vst.idx.add.f32.msk $0xffff, v45  }
0x2c7: {  	v36 =	vshll.u32 v18, $0x10;
	v18 =	vand.u32 $0xFFFF0000, v18;
	v55 =	vmul.f32 v55, v33;
	[tilespmem:v58+s17+$0x0] =	vst.idx.add.f32.msk $0xffff, v21  }
0x2c8: {  	v18 =	vmul.f32 v18, v62;
	v21 =	vmul.f32 v36, v62;
	v62 =	vld [tilespmem:$0x1FCB0]  }
0x2c9: {  	v47 =	vand.u32 $0xFFFF0000, v31;
	[tilespmem:v9+s17+$0x0] =	vst.idx.add.f32.msk $0xffff, v55  }
0x2ca: {  	v11 =	vshll.u32 v14, $0x10;
	v47 =	vmul.f32 v47, v16;
	[tilespmem:v56+s17+$0x0] =	vst.idx.add.f32.msk $0xffff, v2  }
0x2cb: {  	v23 =	vand.u32 $0xFFFF0000, v23;
	v14 =	vand.u32 $0xFFFF0000, v14;
	v6 =	vmul.f32 v11, v19;
	v56 =	vld [tilespmem:$0x1FD10]  }
0x2cc: {  	v2 =	vmul.f32 v14, v19;
	v19 =	vand.u32 $0xFFFF0000, v40;
	v40 =	vmul.f32 v23, v29;
	[tilespmem:v27+s17+$0x0] =	vst.idx.add.f32.msk $0xffff, v47  }
0x2cd: {  	v3 =	vand.u32 $0xFFFF0000, v3;
	v36 =	vld [tilespmem:$0x1FCC0];
	v58 =	vmul.f32 v19, v34  }
0x2ce: {  	v3 =	vmul.f32 v3, v12;
	[tilespmem:v59+s17+$0x0] =	vst.idx.add.f32.msk $0xffff, v40  }
0x2cf: {  	[tilespmem:v48+s17+$0x0] =	vst.idx.add.f32.msk $0xffff, v58  }
0x2d0: {  	[tilespmem:v62+s17+$0x0] =	vst.idx.add.f32.msk $0xffff, v3  }
0x2d1: {  	v12 =	vshll.u32 v20, $0x10;
	v20 =	vand.u32 $0xFFFF0000, v20;
	v62 =	vld [tilespmem:$0x1FD20]  }
0x2d2: {  	v32 =	vmul.f32 v20, v63;
	v3 =	vmul.f32 v12, v63;
	v63 =	vld [tilespmem:$0x1FD30]  }
0x2d3: {  	v4 =	vand.u32 $0xFFFF0000, v4;
	[tilespmem:v53+s17+$0x0] =	vst.idx.add.f32.msk $0xffff, v6  }
0x2d4: {  	s22 =	sadd.s32 $0x10, s22;
	v0 =	vmul.f32 v4, v13;
	[tilespmem:v56+s17+$0x0] =	vst.idx.add.f32.msk $0xffff, v2  }
0x2d5: {  	p0 =	slt.u32 s22, $0x1E0;
	[tilespmem:v36+s17+$0x0] =	vst.idx.add.f32.msk $0xffff, v7  }
.Ltmp5:
0x2d6: {  	[tilespmem:v41+s17+$0x0] =	vst.idx.add.f32.msk $0xffff, v0;
	(pc) =	sbr.rel @p0 .LBB2_12-.Ltmp5, $4  }
0x2d7: {  	[tilespmem:v60+s17+$0x0] =	vst.idx.add.f32.msk $0xffff, v3  }
0x2d8: {  	[tilespmem:v61+s17+$0x0] =	vst.idx.add.f32.msk $0xffff, v32  }
0x2d9: {  	[tilespmem:v62+s17+$0x0] =	vst.idx.add.f32.msk $0xffff, v21  }
0x2da: {  	s24 =	simm.s32 $0x0;
	s23 =	sadd.s32 $0x100, s23;
	[tilespmem:v63+s17+$0x0] =	vst.idx.add.f32.msk $0xffff, v18  }
.LBB2_13:
0x2db: {  	s21 =	sshra.s32 s24, $0x2  }
0x2dc: {  	v0 =	vld [tilespmem:s21+$0x19800];
	_ =	sdelay $0x4  }
0x2dd: {  	v1 =	vand.u32 $0x3FFF, v0;
	_ =	sdelay $0x4  }
0x2de: {  	v2 =	vld.idx.msk [tilespmem:v1+s16+$0x0], $0xffff  }
0x2df: {  	v3 =	vld [tilespmem:s21+$0x1B780];
	_ =	sdelay $0x1  }
0x2e0: {  	v0 =	vshrl.u32 v0, $0xE  }
0x2e1: {  	v4 =	vadd.s32 $0x2710, v0  }
0x2e2: {  	v1 =	vadd.s32 $0x2710, v1;
	v5 =	vshll.u32 v2, $0x10  }
0x2e3: {  	v2 =	vand.u32 $0xFFFF0000, v2;
	v5 =	vmul.f32 v5, v3  }
0x2e4: {  	v2 =	vmul.f32 v2, v3  }
0x2e5: {  	[tilespmem:v0+s17+$0x0] =	vst.idx.add.f32.msk $0xffff, v5  }
0x2e6: {  	[tilespmem:v4+s17+$0x0] =	vst.idx.add.f32.msk $0xffff, v2  }
0x2e7: {  	v1 =	vld.idx.msk [tilespmem:v1+s16+$0x0], $0xffff;
	_ =	sdelay $0x2  }
0x2e8: {  	v62 =	vadd.s32 $0x4E20, v0  }
0x2e9: {  	p0 =	sne.s32 s24, $0xC0;
	v0 =	vadd.s32 $0x7530, v0  }
.Ltmp6:
0x2ea: {  	v63 =	vshll.u32 v1, $0x10;
	(pc) =	sbr.rel @p0 .LBB2_13-.Ltmp6, $4  }
0x2eb: {  	v1 =	vand.u32 $0xFFFF0000, v1;
	v4 =	vmul.f32 v63, v3  }
0x2ec: {  	v1 =	vmul.f32 v1, v3  }
0x2ed: {  	[tilespmem:v62+s17+$0x0] =	vst.idx.add.f32.msk $0xffff, v4  }
0x2ee: {  	s24 =	sadd.s32 $0x40, s24;
	[tilespmem:v0+s17+$0x0] =	vst.idx.add.f32.msk $0xffff, v1  }
0x2ef: {  	s20 =	sadd.s32 $0x1, s20  }
0x2f0: {  	p0 =	sne.s32 s20, $0x14  }
.Ltmp7:
0x2f1: {  	_ = 	snop;
	(pc) =	sbr.rel @p0 .LBB2_8-.Ltmp7, $1  }
0x2f2: {  	_ =	sdelay $0x3  }
0x2f3: {  	s19 =	sadd.s32 $0x1, s19  }
0x2f4: {  	p0 =	sne.s32 s19, s7  }
.Ltmp8:
0x2f5: {  	_ = 	snop;
	(pc) =	sbr.rel @p0 .LBB2_1-.Ltmp8, $4  }
0x2f6: {  	[hbm4b:s6+s2] =	stream.linear.scatter [tilespmem:s17], [sflag:$0x3], $0x9C40, $0x38;
	[tilespmem:$0x1B800] =	vst v63  }
0x2f7: {  	_ =	swait.ge [sflag:s10], $0x9C40  }
0x2f8: {  	[sflag:s10] =	ssyncset.done $0x0  }
0x2f9: {  	v10 =	vimm.f32 $0.0e+00;
	[sflag:s10] =	ssyncadd.s32 $0xFFFF63C0  }
0x2fa: {  	_ =	sfence.sel $0x180000  }
0x2fb: {  	[bflag:$0x0] =	sbarrier.arrive $0xFFFF  }
0x2fc: {  	p0 =	sne.s32 s0, $0x0;
	_ =	strace $0x9000004A  }
0x2fd: {  	s0 =	sadd.s32 @!p0 $0x100000, s1;
	[bflag:$0x2] =	sbarrier.arrive $0xFFFF  }
0x2fe: {  	[sflag:s0] =	ssyncadd.tile.s32 @!p0 $0x1;
	_ =	shalt  }
.Lfunc_end2:
_tile_overlayer_lowered:
.L_overlay_start_2:
0x2ff: {  	(tag) =	ssettag $0x2  }
0x300: {  	s0 =	rddreg [dreg:$0x0];
	s2 =	stileid.u32  }
0x301: {  	s1 =	rddreg [dreg:$0x1];
	p0 =	sne.s32 s2, $0x0  }
0x302: {  	s3 =	rddreg [dreg:$0x2];
	[bflag:$0x3] =	sbarrier.arrive $0xFFFF;
	s2 =	simm.s32 @!p0 $0x1C03  }
0x303: {  	[timem:s3], [sflag:s2] =	dma.local @!p0 [hbm:s0], s1  }
0x304: {  	s0 =	simm.s32 @!p0 $0x3  }
0x305: {  	_ =	swait.ge @!p0 [sflag:s0], s1  }
0x306: {  	s1 =	ssub.s32 @!p0 $0x0, s1;
	[sflag:s0] =	ssyncset.done @!p0 $0x0  }
0x307: {  	[sflag:s0] =	ssyncadd.s32 @!p0 s1  }
0x308: {  	[bflag:$0x3] =	sbarrier.arrive $0xFFFF  }
0x309: {  	_ =	shalt  }

// kernel: kernel.8.cloned.1.call-start
scs
__scs_entry_jumppad:
0x0: {  	(pc) =	sbr.rel $0x88, $3  }
0x1: {  	(tag) =	ssettag $0x0;
	lr =	simm.s32 $0x1  }
0x2: {  	[smem:$0x3F99] =	sst lr;
	_ =	strace $0xD0000000  }
0x3: {  	_ = 	snop  }
0x4: {  	_ = 	snop  }
0x5: {  	_ = 	snop  }
0x6: {  	_ = 	snop  }
0x7: {  	_ = 	snop  }
__scs_overlays_trampoline_lowered:
0x8: {  	[smem:$0x3FA8] =	sst s0  }
0x9: {  	[smem:$0x3FA9] =	sst s1  }
0xa: {  	[smem:$0x3FAA] =	sst s2  }
0xb: {  	[smem:$0x3FAB] =	sst s3  }
0xc: {  	[smem:$0x3FAC] =	sst s4  }
0xd: {  	[smem:$0x3FAD] =	sst s5  }
0xe: {  	[smem:$0x3FAE] =	sst s6  }
0xf: {  	[smem:$0x3FAF] =	sst s7  }
0x10: {  	[smem:$0x3FB0] =	sst s8  }
0x11: {  	[smem:$0x3FB1] =	sst s9;
	s0 =	simm.s32 @!p0 $0x0  }
0x12: {  	s1 =	sld [smem:$0x3F97];
	s0 =	simm.s32 @p0 $0x1  }
0x13: {  	[smem:$0x3FB2] =	sst s0;
	s0 =	simm.s32 @!p1 $0x0  }
0x14: {  	s2 =	sld [smem:$0x3F96];
	s0 =	simm.s32 @p1 $0x1  }
0x15: {  	[smem:$0x3FB3] =	sst s0;
	s0 =	simm.s32 @!p2 $0x0  }
0x16: {  	s3 =	sld [smem:$0x3FDB];
	s0 =	simm.s32 @p2 $0x1  }
0x17: {  	s4 =	simm.s32 $0x1BF5;
	[smem:$0x3FB5] =	sst s0  }
0x18: {  	s0 =	sld [smem:$0x3F98];
	_ =	swait.ge [sflag:s4], $0x0  }
0x19: {  	s7 =	sld [smem:$0x3F99]  }
0x1a: {  	s8 =	sadd.s32 $0xFFFFE003, lr  }
0x1b: {  	s9 =	sadd.s32 $0xFFFFFEF7, lr;
	s5 =	simm.s32 $0xFFFFFFFF;
	p2 =	slt.u32 s8, $0xFFFFF086  }
0x1c: {  	p1 =	slt.u32 s9, $0xF7A;
	s5 =	simm.s32 @!p2 $0x0  }
0x1d: {  	s5 =	simm.s32 @p1 $0x1;
	p0 =	seq.s32 s7, s2  }
0x1e: {  	s7 =	smul.u32 @!p0 $0xF7A, s2;
	p2 =	seq.s32 @!p0 s5, $0x0  }
0x1f: {  	s9 =	smul.u32 $0xF7A, s1;
	s8 =	simm.s32 @!p0 $0x1BF5;
	p2 =	por !p2, p0  }
0x20: {  	[sflag:s8] =	ssyncset.s32 @!p0 $0xFFFFF086;
	s6 =	sadd.s32 @!p0 s3, s7;
	s7 =	simm.s32 @!p0 $0x108  }
0x21: {  	s3 =	sadd.s32 s3, s9;
	s6 =	sadd.s32 @!p0 $0x88, s6;
	s7 =	simm.s32 @p2 $0x1082  }
0x22: {  	[simem:s7], [sflag:s8] =	dma.local @!p0 [hbm:s6], $0xF7A  }
0x23: {  	s9 =	sor.u32 $0xD0000000, s2;
	s6 =	simm.s32 $0x108;
	_ =	swait.ge @!p0 [sflag:s8], $0x0  }
0x24: {  	s3 =	sadd.s32 $0x88, s3;
	s6 =	simm.s32 @!p1 $0x1082;
	[sflag:s4] =	ssyncset.s32 $0xFFFFF086  }
0x25: {  	[simem:s6], [sflag:s4] =	dma.local [hbm:s3], $0xF7A  }
0x26: {  	[smem:$0x3F99] =	sst s1;
	(tag) =	ssettag s2;
	_ =	strace s9  }
0x27: {  	s1 =	sld [smem:$0x3FA9]  }
0x28: {  	s2 =	sld [smem:$0x3FAA]  }
0x29: {  	s4 =	sld [smem:$0x3FAC]  }
0x2a: {  	p0 =	seq.s32 s5, $0x0;
	s5 =	sld [smem:$0x3FAD]  }
0x2b: {  	s6 =	sld [smem:$0x3FAE]  }
0x2c: {  	s7 =	sld [smem:$0x3FAF]  }
0x2d: {  	s3 =	simm.s32 $0x108;
	s8 =	sld [smem:$0x3FB0]  }
0x2e: {  	s3 =	simm.s32 @!p0 $0x1082;
	s9 =	sld [smem:$0x3FB1]  }
0x2f: {  	lr =	sadd.s32 s0, s3;
	s0 =	sld [smem:$0x3FA8]  }
0x30: {  	s3 =	sld [smem:$0x3FAB]  }
0x31: {  	[smem:$0x3FB4] =	sst s10  }
0x32: {  	s10 =	sld [smem:$0x3FB2];
	_ =	sdelay $0x3  }
0x33: {  	p0 =	seq.s32 s10, $0x1;
	s10 =	sld [smem:$0x3FB4];
	_ =	sdelay $0x3  }
0x34: {  	[smem:$0x3FB4] =	sst s10  }
0x35: {  	s10 =	sld [smem:$0x3FB3];
	_ =	sdelay $0x3  }
0x36: {  	p1 =	seq.s32 s10, $0x1;
	s10 =	sld [smem:$0x3FB4];
	_ =	sdelay $0x3  }
0x37: {  	[smem:$0x3FB4] =	sst s10  }
0x38: {  	s10 =	sld [smem:$0x3FB5]  }
0x39: {  	_ = 	snop;
	(pc) =	sbr.ind lr, $3  }
0x3a: {  	_ = 	snop  }
0x3b: {  	_ = 	snop  }
0x3c: {  	p2 =	seq.s32 s10, $0x1;
	s10 =	sld [smem:$0x3FB4]  }
0x3d: {  	_ =	shalt  }
0x3e: {  	_ =	shalt  }
0x3f: {  	_ =	shalt  }
0x40: {  	_ =	shalt  }
0x41: {  	_ =	shalt  }
0x42: {  	_ =	shalt  }
0x43: {  	_ =	shalt  }
0x44: {  	_ =	shalt  }
0x45: {  	_ =	shalt  }
0x46: {  	_ =	shalt  }
0x47: {  	_ =	shalt  }
0x48: {  	_ =	shalt  }
0x49: {  	_ =	shalt  }
0x4a: {  	_ =	shalt  }
0x4b: {  	_ =	shalt  }
0x4c: {  	_ =	shalt  }
0x4d: {  	_ =	shalt  }
0x4e: {  	_ =	shalt  }
0x4f: {  	_ =	shalt  }
0x50: {  	_ =	shalt  }
0x51: {  	_ =	shalt  }
0x52: {  	_ =	shalt  }
0x53: {  	_ =	shalt  }
0x54: {  	_ =	shalt  }
0x55: {  	_ =	shalt  }
0x56: {  	_ =	shalt  }
0x57: {  	_ =	shalt  }
0x58: {  	_ =	shalt  }
0x59: {  	_ =	shalt  }
0x5a: {  	_ =	shalt  }
0x5b: {  	_ =	shalt  }
0x5c: {  	_ =	shalt  }
0x5d: {  	_ =	shalt  }
0x5e: {  	_ =	shalt  }
0x5f: {  	_ =	shalt  }
0x60: {  	_ =	shalt  }
0x61: {  	_ =	shalt  }
0x62: {  	_ =	shalt  }
0x63: {  	_ =	shalt  }
0x64: {  	_ =	shalt  }
0x65: {  	_ =	shalt  }
0x66: {  	_ =	shalt  }
0x67: {  	_ =	shalt  }
0x68: {  	_ =	shalt  }
0x69: {  	_ =	shalt  }
0x6a: {  	_ =	shalt  }
0x6b: {  	_ =	shalt  }
0x6c: {  	_ =	shalt  }
0x6d: {  	_ =	shalt  }
0x6e: {  	_ =	shalt  }
0x6f: {  	_ =	shalt  }
0x70: {  	_ =	shalt  }
0x71: {  	_ =	shalt  }
0x72: {  	_ =	shalt  }
0x73: {  	_ =	shalt  }
0x74: {  	_ =	shalt  }
0x75: {  	_ =	shalt  }
0x76: {  	_ =	shalt  }
0x77: {  	_ =	shalt  }
0x78: {  	_ =	shalt  }
0x79: {  	_ =	shalt  }
0x7a: {  	_ =	shalt  }
0x7b: {  	_ =	shalt  }
0x7c: {  	_ =	shalt  }
0x7d: {  	_ =	shalt  }
0x7e: {  	_ =	shalt  }
0x7f: {  	_ =	shalt  }
0x80: {  	_ =	shalt  }
0x81: {  	_ =	shalt  }
0x82: {  	_ =	shalt  }
0x83: {  	_ =	shalt  }
0x84: {  	_ =	shalt  }
0x85: {  	_ =	shalt  }
0x86: {  	_ =	shalt  }
0x87: {  	_ =	shalt  }
.Lfunc_end0:
.L_simem_size_0:
called_computation_lowered:
.L_overlay_start_0:
0x88: {  	s2 =	sld [smem:$0x3FD9]  }
0x89: {  	s3 =	sld [smem:$0x3FFE];
	_ =	sdelay $0x1  }
0x8a: {  	s1 =	srdreg.scid  }
0x8b: {  	s0 =	sand.u32 $0x1, s1  }
0x8c: {  	s17 =	sshll.u32 s0, $0xA;
	s2 =	sadd.s32 s3, s2  }
0x8d: {  	s2 =	sadd.s32 s2, s17  }
0x8e: {  	[smem:$0x3FC0] =	sst s2  }
0x8f: {  	_ = 	snop  }
0x90: {  	s2 =	sld [smem:$0x3FD0];
	(tm) =	ssettm $0x1  }
0x91: {  	s18 =	sld [smem:$0x3FFB];
	_ =	sdelay $0x3  }
0x92: {  	_ =	strace s18  }
0x93: {  	s3 =	sld [smem:$0x3FFC];
	_ =	sdelay $0x3  }
0x94: {  	_ =	strace s3  }
0x95: {  	s3 =	sld [smem:$0x3FFD];
	_ =	sdelay $0x3  }
0x96: {  	_ =	strace s3  }
0x97: {  	_ =	strace $0x8FFFFFFF  }
0x98: {  	s19 =	sld [smem:$0x3FDB];
	_ =	sdelay $0x1  }
0x99: {  	s4 =	simm.s32 $_scs_section_size  }
0x9a: {  	s5 =	simm.s32 $_size__tile_overlayer_lowered;
	s6 =	simm.s32 $_tile_overlayer_lowered  }
0x9b: {  	s22 =	simm.s32 $0x1BFF;
	s21 =	sshll.u32 s6, $0x1;
	s3 =	sadd.s32 s4, s19  }
0x9c: {  	s7 =	simm.s32 $0x0;
	s20 =	sshll.u32 s5, $0x1;
	s5 =	sadd.s32 s21, s3  }
0x9d: {  	[timem:s7], [sflag:s22] =	dma.local [hbm:s5], s20  }
0x9e: {  	_ =	swait.ge [sflag:s22], s20  }
0x9f: {  	s4 =	ssub.s32 $0x0, s20;
	[sflag:s22] =	ssyncset.done $0x0  }
0xa0: {  	[sflag:s22] =	ssyncadd.s32 s4;
	_ =	sdelay $0x1  }
0xa1: {  	s23 =	simm.s32 $0x1B8B  }
0xa2: {  	_ =	swait.ge [sflag:s23], $0x1  }
0xa3: {  	[sflag:s23] =	ssyncset.done $0x0  }
0xa4: {  	s25 =	simm.s32 $0x1B8E;
	s24 =	sld [smem:$0x3FFE];
	[sflag:s23] =	ssyncadd.s32 $0xFFFFFFFF  }
0xa5: {  	s26 =	simm.s32 $execute0_lowered;
	[smem:$0x3FD2] =	sst s25  }
0xa6: {  	s5 =	sshll.u32 s26, $0x1;
	_ =	strace $0x80000046;
	[dreg:$0x1] =	wrdreg $0xFFFFFFFF  }
0xa7: {  	s28 =	simm.s32 $_size_execute0_lowered;
	s3 =	sadd.s32 s3, s5;
	[dreg:$0x0] =	wrdreg $0x0  }
0xa8: {  	s5 =	sshll.u32 s28, $0x1;
	[dreg:$0x2] =	wrdreg s3  }
0xa9: {  	[dreg:$0x3] =	wrdreg s5  }
0xaa: {  	[dreg:$0x4] =	wrdreg $0xC0  }
0xab: {  	_ =	task [dreg:s7], $0x5FFFF  }
0xac: {  	[dreg:$0x1] =	wrdreg $0xFFFFFFFF  }
0xad: {  	[dreg:$0x0] =	wrdreg $0x60  }
0xae: {  	[dreg:$0x2] =	wrdreg s24  }
0xaf: {  	[dreg:$0x3] =	wrdreg s2  }
0xb0: {  	[dreg:$0x4] =	wrdreg $0x9  }
0xb1: {  	_ =	task.clear_ibuf [dreg:s7], $0x5FFFF;
	_ =	strace $0x90000046  }
0xb2: {  	s29 =	simm.s32 $0x9;
	_ =	strace $0x80000048  }
0xb3: {  	_ =	swait.ge [sflag:s29], $0x1  }
0xb4: {  	[sflag:s29] =	ssyncadd.s32 $0xFFFFFFFF  }
0xb5: {  	_ =	strace $0x90000048  }
0xb6: {  	_ =	sfence  }
0xb7: {  	s30 =	sld [smem:$0x0];
	_ =	sdelay $0x2  }
0xb8: {  	s31 =	sshll.u32 s1, $0xD;
	s1 =	sshrl.u32 s1, $0x2  }
0xb9: {  	s3 =	sand.u32 $0x4000, s31;
	s1 =	sadd.s32 s1, s30  }
0xba: {  	s0 =	sor.u32 s3, s0;
	s1 =	sshll.u32 s1, $0x11  }
0xbb: {  	s0 =	sor.u32 s1, s0  }
0xbc: {  	s0 =	sadd.s32 $0x8F2B, s0  }
0xbd: {  	[sflag:s0] =	ssyncadd.remote.s32 $0x1  }
0xbe: {  	_ =	sfence.sel $0xFFFF  }
0xbf: {  	[dreg:$0x0] =	wrdreg $0xFFFFFFFF;
	(pc) =	sbr.abs _section_cstart, $3  }
0xc0: {  	[dreg:$0x1] =	wrdreg $0xFFFFFFFF  }
0xc1: {  	_ =	task.clear_ibuf [dreg:s7], $0x2FFFF;
	_ =	strace $0x9FFFFFFF  }
0xc2: {  	(tm) =	ssettm $0x7FFFFFFF  }
0xc3: {  	_ =	shalt  }
tec
execute0_lowered:
.L_overlay_start_1:
0x0: {  	(tag) =	ssettag $0x1  }
0x1: {  	s5 =	rddreg [dreg:$0x0];
	s1 =	srdreg.scid  }
0x2: {  	s0 =	stileid.u32;
	s7 =	rddreg [dreg:$0x1];
	s2 =	simm.s32 $0x0  }
0x3: {  	s11 =	simm.s32 $0x1;
	s12 =	simm.s32 $0x2780;
	s13 =	simm.s32 $0x7680  }
0x4: {  	s14 =	simm.s32 $0x9E00;
	s15 =	simm.s32 $0xED00;
	s16 =	simm.s32 $0x4F00  }
0x5: {  	s17 =	simm.s32 $0xC580;
	s4 =	sand.u32 $0x1, s1;
	s3 =	sshll.u32 s0, $0x1  }
0x6: {  	s18 =	simm.s32 $0x0;
	s1 =	rddreg [dreg:$0x2];
	s3 =	sor.u32 s4, s3  }
0x7: {  	[smem:$0x7FF] =	sst s2;
	s6 =	ssub.s32 $0x2, s4;
	s8 =	smul.u32 $0x4E2, s3  }
0x8: {  	_ =	strace $0x80000047;
	s4 =	sadd.s32 $0x1F800, s5;
	s10 =	sshrl.u32 s6, $0x1  }
0x9: {  	s3 =	sadd.s32 $0x1F200, s5;
	s10 =	ssub.s32 s6, s10;
	s9 =	sadd.s32 s8, s5  }
0xa: {  	s5 =	sadd.s32 $0x1FE00, s5;
	s7 =	sadd.s32 s7, s8;
	s10 =	smax.u32 s10, $0x1  }
0xb: {  	v0 =	vimm.f32 $0.0e+00;
	s6 =	sadd.s32 $0x1800, s9;
	s8 =	sadd.s32 $0x29E00, s9;
	s9 =	sadd.s32 $0x20000, s9  }
.LBB2_1:
0xc: {  	[tilespmem:s2], [sflag:$0x1] =	stream.linear.gather [hbm4b:s3+s2], $0x2780, $0x38;
	[tilespmem:$0xED80] =	vst v63  }
0xd: {  	_ =	swait.ge [sflag:s11], $0x2780  }
0xe: {  	[sflag:s11] =	ssyncset.done $0x0  }
0xf: {  	[sflag:s11] =	ssyncadd.s32 $0xFFFFD880  }
0x10: {  	[tilespmem:s12], [sflag:$0x1] =	stream.linear.gather [hbm4b:s4+s2], $0x2780, $0x38;
	[tilespmem:$0xED80] =	vst v63  }
0x11: {  	_ =	swait.ge [sflag:s11], $0x2780  }
0x12: {  	[sflag:s11] =	ssyncset.done $0x0  }
0x13: {  	[sflag:s11] =	ssyncadd.s32 $0xFFFFD880  }
0x14: {  	[tilespmem:s13], [sflag:$0x1] =	stream.linear.gather [hbm4b:s6+s2], $0x2710, $0x38;
	[tilespmem:$0xED80] =	vst v63  }
0x15: {  	_ =	swait.ge [sflag:s11], $0x2710  }
0x16: {  	[sflag:s11] =	ssyncset.done $0x0  }
0x17: {  	[sflag:s11] =	ssyncadd.s32 $0xFFFFD8F0  }
0x18: {  	[tilespmem:s14], [sflag:$0x1] =	stream.linear.gather [hbm4b:s7+s2], $0x2710, $0x38;
	[tilespmem:$0xED80] =	vst v63  }
0x19: {  	_ =	swait.ge [sflag:s11], $0x2710  }
0x1a: {  	[sflag:s11] =	ssyncset.done $0x0  }
0x1b: {  	[sflag:s11] =	ssyncadd.s32 $0xFFFFD8F0  }
0x1c: {  	[tilespmem:s15], [sflag:$0x1] =	stream.linear.gather [hbm4b:s5+s2], $0x80, $0x38;
	[tilespmem:$0xED80] =	vst v63  }
0x1d: {  	_ =	swait.ge [sflag:s11], $0x80  }
0x1e: {  	[sflag:s11] =	ssyncset.done $0x0  }
0x1f: {  	s19 =	simm.s32 $0x4F40;
	[sflag:s11] =	ssyncadd.s32 $0xFFFFFF80  }
0x20: {  	v1 =	vld [tilespmem:$0xED00];
	[tilespmem:s19+$0xFFFFFFC0] =	vst v0  }
0x21: {  	[tilespmem:s19+$0x30] =	vst v0  }
0x22: {  	[tilespmem:s19+$0x20] =	vst v0  }
0x23: {  	[tilespmem:s19+$0x10] =	vst v0  }
0x24: {  	[tilespmem:s19+$0x0] =	vst v0  }
0x25: {  	[tilespmem:s19+$0xFFFFFFF0] =	vst v0  }
0x26: {  	s20 =	simm.s32 $0x0;
	[tilespmem:s19+$0xFFFFFFE0] =	vst v0  }
.LBB2_2:
0x27: {  	s20 =	sadd.s32 $0x8, s20;
	[tilespmem:s19+$0xFFFFFFD0] =	vst v0;
	s19 =	sadd.s32 $0x80, s19  }
0x28: {  	[tilespmem:s19+$0xFFFFFFC0] =	vst v0;
	p0 =	slt.u32 s20, $0x268  }
0x29: {  	[tilespmem:s19+$0x30] =	vst v0  }
.Ltmp0:
0x2a: {  	[tilespmem:s19+$0x20] =	vst v0;
	(pc) =	sbr.rel @p0 .LBB2_2-.Ltmp0, $4  }
0x2b: {  	[tilespmem:s19+$0x10] =	vst v0  }
0x2c: {  	[tilespmem:s19+$0x0] =	vst v0  }
0x2d: {  	[tilespmem:s19+$0xFFFFFFF0] =	vst v0  }
0x2e: {  	[tilespmem:s19+$0xFFFFFFE0] =	vst v0  }
0x2f: {  	[tilespmem:s19+$0xFFFFFFD0] =	vst v0  }
0x30: {  	s30 =	simm.s32 $0x76A0;
	[tilespmem:$0x7600] =	vst v0  }
0x31: {  	v2 =	vld [tilespmem:s30+$0xFFFFFFE0];
	_ =	sdelay $0x2  }
0x32: {  	v3 =	vld [tilespmem:s30+$0x10]  }
0x33: {  	v4 =	vld [tilespmem:s30+$0x0]  }
0x34: {  	v11 =	vshrl.u32 v2, $0xE  }
0x35: {  	v5 =	vand.u32 $0x3FFF, v2;
	_ =	sdelay $0x1  }
0x36: {  	s20 =	simm.s32 $0x9E20;
	v7 =	vld [tilespmem:s30+$0xFFFFFFF0];
	v6 =	vand.u32 $0x3FFF, v3  }
0x37: {  	v8 =	vld [tilespmem:s20+$0xFFFFFFE0];
	v2 =	vshrl.u32 v4, $0xE  }
0x38: {  	v4 =	vand.u32 $0x3FFF, v4;
	v9 =	vld.idx.msk [tilespmem:v11+s2+$0x0], $0xffff  }
0x39: {  	v18 =	vshrl.u32 v3, $0xE;
	v5 =	vld.idx.msk [tilespmem:v5+s12+$0x0], $0xffff  }
0x3a: {  	v13 =	vld [tilespmem:s20+$0x10]  }
0x3b: {  	v3 =	vshrl.u32 v7, $0xE;
	v6 =	vld.idx.msk [tilespmem:v6+s12+$0x0], $0xffff  }
0x3c: {  	v12 =	vld.idx.msk [tilespmem:v2+s2+$0x0], $0xffff  }
0x3d: {  	v7 =	vand.u32 $0x3FFF, v7;
	v4 =	vld.idx.msk [tilespmem:v4+s12+$0x0], $0xffff  }
0x3e: {  	v10 =	vld.idx.msk [tilespmem:v18+s2+$0x0], $0xffff;
	v5 =	vadd.f32 v5, v9  }
0x3f: {  	v14 =	vld [tilespmem:s20+$0x0]  }
0x40: {  	s31 =	simm.s32 $0x76E0;
	v16 =	vld.idx.msk [tilespmem:v3+s2+$0x0], $0xffff;
	v5 =	vadd.f32 v8, v5  }
0x41: {  	v8 =	vld [tilespmem:s31+$0xFFFFFFE0]  }
0x42: {  	v4 =	vadd.f32 v4, v12;
	v12 =	vld.idx.msk [tilespmem:v7+s12+$0x0], $0xffff;
	v5 =	vadd.f32 v5, v1  }
0x43: {  	v6 =	vadd.f32 v6, v10;
	v10 =	vld [tilespmem:s31+$0x10]  }
0x44: {  	v15 =	vld [tilespmem:s20+$0xFFFFFFF0];
	v5 =	vmul.f32 $1.442695020e+00, v5  }
0x45: {  	v6 =	vadd.f32 v13, v6  }
0x46: {  	v7 =	vadd.f32 v14, v4;
	v13 =	vld [tilespmem:s31+$0x0];
	v17 =	vand.u32 $0x3FFF, v8;
	(erf) = vpow2.f32 v5  }
0x47: {  	s19 =	simm.s32 $0x9E60;
	v9 =	vadd.f32 v6, v1;
	v12 =	vadd.f32 v12, v16  }
0x48: {  	v21 =	vld [tilespmem:s19+$0xFFFFFFE0];
	v7 =	vadd.f32 v7, v1;
	v19 =	vand.u32 $0x3FFF, v10  }
0x49: {  	v14 =	vld [tilespmem:s31+$0xFFFFFFF0];
	v4 =	vshrl.u32 v8, $0xE;
	v8 =	vmul.f32 $1.442695020e+00, v9;
	v12 =	vadd.f32 v15, v12  }
0x4a: {  	v6 =	vld [tilespmem:s19+$0xFFFFFFF0];
	v20 =	vmul.f32 $1.442695020e+00, v7  }
0x4b: {  	v7 =	vshrl.u32 v13, $0xE;
	(erf) = vpow2.f32 v8;
	v16 =	vld.idx.msk [tilespmem:v17+s12+$0x0], $0xffff;
	v17 =	vadd.f32 v12, v1  }
0x4c: {  	v9 =	vld [tilespmem:s19+$0x0];
	v5 =	vshrl.u32 v10, $0xE  }
0x4d: {  	v22 =	vand.u32 $0x3FFF, v13;
	v10 =	vld [tilespmem:s19+$0x10];
	(erf) = vpow2.f32 v20;
	v17 =	vmul.f32 $1.442695020e+00, v17  }
0x4e: {  	v15 =	vand.u32 $0x3FFF, v14;
	v19 =	vld.idx.msk [tilespmem:v19+s12+$0x0], $0xffff  }
0x4f: {  	v62 =	vld.idx.msk [tilespmem:v4+s2+$0x0], $0xffff;
	v24 =	vpop (erf);
	(erf) = vpow2.f32 v17  }
0x50: {  	v8 =	vshrl.u32 v14, $0xE;
	v13 =	vld.idx.msk [tilespmem:v7+s2+$0x0], $0xffff  }
0x51: {  	v23 =	vld.idx.msk [tilespmem:v5+s2+$0x0], $0xffff  }
0x52: {  	s20 =	simm.s32 $0xC5A0;
	v14 =	vld.idx.msk [tilespmem:v22+s12+$0x0], $0xffff  }
0x53: {  	v15 =	vld.idx.msk [tilespmem:v15+s12+$0x0], $0xffff;
	[tilespmem:s20+$0xFFFFFFE0] =	vst v24  }
0x54: {  	v16 =	vadd.f32 v16, v62;
	v63 =	vpop (erf);
	[tilespmem:v11+s16+$0x0] =	vst.idx.add.f32.msk $0xffff, v24  }
0x55: {  	v12 =	vld.idx.msk [tilespmem:v8+s2+$0x0], $0xffff;
	[tilespmem:s20+$0x10] =	vst v63  }
0x56: {  	s22 =	simm.s32 $0x4;
	s23 =	simm.s32 $0x7720;
	s21 =	simm.s32 $0xC5A0;
	v11 =	vpop (erf);
	v17 =	vadd.f32 v21, v16;
	v16 =	vadd.f32 v19, v23;
	[tilespmem:v18+s16+$0x0] =	vst.idx.add.f32.msk $0xffff, v63  }
.LBB2_4:
0x57: {  	v18 =	vld [tilespmem:s23+$0xFFFFFFE0];
	s22 =	sadd.s32 $0x4, s22;
	[tilespmem:s20+$0x0] =	vst v11;
	s21 =	sadd.s32 $0x40, s21  }
0x58: {  	v13 =	vadd.f32 v14, v13;
	v19 =	vld [tilespmem:s23+$0x10];
	p0 =	slt.u32 s22, $0x26C;
	v17 =	vadd.f32 v17, v1;
	v14 =	vpop (erf)  }
0x59: {  	v10 =	vadd.f32 v10, v16;
	v20 =	vld [tilespmem:s23+$0x0];
	[tilespmem:s20+$0xFFFFFFF0] =	vst v14;
	s20 =	smov.u32 s21  }
0x5a: {  	v9 =	vadd.f32 v9, v13;
	v16 =	vmul.f32 $1.442695020e+00, v17;
	[tilespmem:v3+s16+$0x0] =	vst.idx.add.f32.msk $0xffff, v14;
	v3 =	vmov v8  }
0x5b: {  	v8 =	vadd.f32 v15, v12;
	v10 =	vadd.f32 v10, v1;
	[tilespmem:v2+s16+$0x0] =	vst.idx.add.f32.msk $0xffff, v11;
	v2 =	vmov v7  }
0x5c: {  	s19 =	sadd.s32 $0x40, s19;
	v7 =	vadd.f32 v9, v1;
	v11 =	vshrl.u32 v18, $0xE;
	v12 =	vld [tilespmem:s23+$0xFFFFFFF0];
	(erf) = vpow2.f32 v16  }
0x5d: {  	v13 =	vand.u32 $0x3FFF, v18;
	v8 =	vadd.f32 v6, v8;
	v14 =	vmul.f32 $1.442695020e+00, v10;
	v6 =	vld [tilespmem:s19+$0xFFFFFFF0]  }
0x5e: {  	v15 =	vand.u32 $0x3FFF, v19;
	v16 =	vmul.f32 $1.442695020e+00, v7;
	v9 =	vld [tilespmem:s19+$0x0]  }
0x5f: {  	v18 =	vshrl.u32 v19, $0xE;
	v17 =	vadd.f32 v8, v1;
	v10 =	vld [tilespmem:s19+$0x10];
	(erf) = vpow2.f32 v14  }
0x60: {  	v7 =	vshrl.u32 v20, $0xE;
	v14 =	vand.u32 $0x3FFF, v20;
	v19 =	vld [tilespmem:s19+$0xFFFFFFE0];
	(erf) = vpow2.f32 v16  }
0x61: {  	v16 =	vld.idx.msk [tilespmem:v11+s2+$0x0], $0xffff;
	v8 =	vshrl.u32 v12, $0xE;
	v20 =	vand.u32 $0x3FFF, v12;
	v12 =	vmul.f32 $1.442695020e+00, v17  }
0x62: {  	v17 =	vld.idx.msk [tilespmem:v13+s12+$0x0], $0xffff  }
0x63: {  	v21 =	vld.idx.msk [tilespmem:v15+s12+$0x0], $0xffff;
	(erf) = vpow2.f32 v12  }
0x64: {  	v22 =	vld.idx.msk [tilespmem:v18+s2+$0x0], $0xffff  }
0x65: {  	v13 =	vld.idx.msk [tilespmem:v7+s2+$0x0], $0xffff;
	v15 =	vpop (erf)  }
.Ltmp1:
0x66: {  	v14 =	vld.idx.msk [tilespmem:v14+s12+$0x0], $0xffff;
	(pc) =	sbr.rel @p0 .LBB2_4-.Ltmp1, $4  }
0x67: {  	v12 =	vld.idx.msk [tilespmem:v8+s2+$0x0], $0xffff;
	[tilespmem:s21+$0xFFFFFFE0] =	vst v15  }
0x68: {  	v16 =	vadd.f32 v17, v16;
	[tilespmem:v4+s16+$0x0] =	vst.idx.add.f32.msk $0xffff, v15;
	v23 =	vpop (erf);
	v4 =	vmov v11  }
0x69: {  	v15 =	vld.idx.msk [tilespmem:v20+s12+$0x0], $0xffff;
	[tilespmem:s21+$0x10] =	vst v23;
	v11 =	vpop (erf)  }
0x6a: {  	s23 =	sadd.s32 $0x40, s23;
	v17 =	vadd.f32 v19, v16;
	v16 =	vadd.f32 v21, v22;
	[tilespmem:v5+s16+$0x0] =	vst.idx.add.f32.msk $0xffff, v23;
	v5 =	vmov v18  }
0x6b: {  	v13 =	vadd.f32 v14, v13  }
0x6c: {  	v17 =	vadd.f32 v17, v1;
	v10 =	vadd.f32 v10, v16  }
0x6d: {  	v9 =	vadd.f32 v9, v13  }
0x6e: {  	v12 =	vadd.f32 v15, v12;
	v62 =	vmul.f32 $1.442695020e+00, v17;
	v10 =	vadd.f32 v10, v1  }
0x6f: {  	v9 =	vadd.f32 v9, v1  }
0x70: {  	v6 =	vadd.f32 v6, v12;
	(erf) = vpow2.f32 v62;
	v10 =	vmul.f32 $1.442695020e+00, v10;
	_ =	sdelay $0x1  }
0x71: {  	v9 =	vmul.f32 $1.442695020e+00, v9;
	v6 =	vadd.f32 v6, v1;
	(erf) = vpow2.f32 v10;
	_ =	sdelay $0x1  }
0x72: {  	(erf) = vpow2.f32 v9;
	v6 =	vmul.f32 $1.442695020e+00, v6;
	_ =	sdelay $0x1  }
0x73: {  	[tilespmem:s20+$0x0] =	vst v11;
	(erf) = vpow2.f32 v6  }
0x74: {  	v63 =	vpop (erf);
	[tilespmem:v2+s16+$0x0] =	vst.idx.add.f32.msk $0xffff, v11  }
0x75: {  	[tilespmem:s20+$0xFFFFFFF0] =	vst v63  }
0x76: {  	s19 =	sadd.s32 $0x40, s21;
	[tilespmem:v3+s16+$0x0] =	vst.idx.add.f32.msk $0xffff, v63;
	v2 =	vpop (erf)  }
0x77: {  	[tilespmem:s19+$0xFFFFFFE0] =	vst v2  }
0x78: {  	[tilespmem:v4+s16+$0x0] =	vst.idx.add.f32.msk $0xffff, v2;
	v2 =	vpop (erf)  }
0x79: {  	[tilespmem:s19+$0x10] =	vst v2  }
0x7a: {  	v3 =	vpop (erf);
	[tilespmem:v5+s16+$0x0] =	vst.idx.add.f32.msk $0xffff, v2  }
0x7b: {  	[tilespmem:s19+$0x0] =	vst v3  }
0x7c: {  	[tilespmem:v7+s16+$0x0] =	vst.idx.add.f32.msk $0xffff, v3;
	v2 =	vpop (erf)  }
0x7d: {  	[tilespmem:s19+$0xFFFFFFF0] =	vst v2  }
0x7e: {  	[tilespmem:v8+s16+$0x0] =	vst.idx.add.f32.msk $0xffff, v2  }
0x7f: {  	v2 =	vld [tilespmem:$0x9D80];
	_ =	sdelay $0x4  }
0x80: {  	v3 =	vshrl.u32 v2, $0xE  }
0x81: {  	v2 =	vand.u32 $0x3FFF, v2;
	_ =	sdelay $0x3  }
0x82: {  	v4 =	vld.idx.msk [tilespmem:v3+s2+$0x0], $0xffff  }
0x83: {  	v2 =	vld.idx.msk [tilespmem:v2+s12+$0x0], $0xffff;
	_ =	sdelay $0x1  }
0x84: {  	v5 =	vld [tilespmem:$0xC500];
	_ =	sdelay $0x2  }
0x85: {  	v2 =	vadd.f32 v2, v4;
	_ =	sdelay $0x1  }
0x86: {  	v2 =	vadd.f32 v5, v2;
	_ =	sdelay $0x1  }
0x87: {  	v1 =	vadd.f32 v2, v1;
	_ =	sdelay $0x1  }
0x88: {  	v1 =	vmul.f32 $1.442695020e+00, v1;
	_ =	sdelay $0x1  }
0x89: {  	(erf) = vpow2.f32 v1;
	_ =	sdelay $0x8  }
0x8a: {  	v1 =	vpop (erf)  }
0x8b: {  	[tilespmem:$0xEC80] =	vst v1  }
0x8c: {  	[tilespmem:v3+s16+$0x0] =	vst.idx.add.f32.msk $0xffff, v1  }
0x8d: {  	[hbm4b:s8+s2] =	stream.linear.scatter [tilespmem:s17], [sflag:$0x1], $0x2710, $0x38;
	[tilespmem:$0xED80] =	vst v63  }
0x8e: {  	s18 =	sadd.s32 $0x1, s18;
	_ =	swait.ge [sflag:s11], $0x2710  }
0x8f: {  	p0 =	sne.s32 s18, s10;
	[sflag:s11] =	ssyncset.done $0x0  }
.Ltmp2:
0x90: {  	[sflag:s11] =	ssyncadd.s32 $0xFFFFD8F0;
	(pc) =	sbr.rel @p0 .LBB2_1-.Ltmp2, $4  }
0x91: {  	[hbm4b:s9+s2] =	stream.linear.scatter [tilespmem:s16], [sflag:$0x1], $0x2710, $0x38;
	[tilespmem:$0xED80] =	vst v63  }
0x92: {  	_ =	swait.ge [sflag:s11], $0x2710  }
0x93: {  	[sflag:s11] =	ssyncset.done $0x0  }
0x94: {  	[sflag:s11] =	ssyncadd.s32 $0xFFFFD8F0  }
0x95: {  	_ =	sfence.sel $0x180000  }
0x96: {  	[bflag:$0x0] =	sbarrier.arrive $0xFFFF  }
0x97: {  	p0 =	sne.s32 s0, $0x0;
	_ =	strace $0x90000047  }
0x98: {  	s0 =	sadd.s32 @!p0 $0x100000, s1;
	[bflag:$0x2] =	sbarrier.arrive $0xFFFF  }
0x99: {  	[sflag:s0] =	ssyncadd.tile.s32 @!p0 $0x1;
	_ =	shalt  }
.Lfunc_end2:
_tile_overlayer_lowered:
.L_overlay_start_2:
0x9a: {  	(tag) =	ssettag $0x2  }
0x9b: {  	s0 =	rddreg [dreg:$0x0];
	s2 =	stileid.u32  }
0x9c: {  	s1 =	rddreg [dreg:$0x1];
	p0 =	sne.s32 s2, $0x0  }
0x9d: {  	s3 =	rddreg [dreg:$0x2];
	[bflag:$0x3] =	sbarrier.arrive $0xFFFF;
	s2 =	simm.s32 @!p0 $0x1C01  }
0x9e: {  	[timem:s3], [sflag:s2] =	dma.local @!p0 [hbm:s0], s1  }
0x9f: {  	s0 =	simm.s32 @!p0 $0x1  }
0xa0: {  	_ =	swait.ge @!p0 [sflag:s0], s1  }
0xa1: {  	s1 =	ssub.s32 @!p0 $0x0, s1;
	[sflag:s0] =	ssyncset.done @!p0 $0x0  }
0xa2: {  	[sflag:s0] =	ssyncadd.s32 @!p0 s1  }
0xa3: {  	[bflag:$0x3] =	sbarrier.arrive $0xFFFF  }
0xa4: {  	_ =	shalt  }

</sc_bundles>
